<compile_context>
chip_gen: v7x
topology: tpu7x:2x2x1
jax: 0.10.2.dev20260603
libtpu: 0.0.44.dev20260713+nightly
codegen_flags: <defaults>
</compile_context>

<pallas_src>
import functools

import jax
import jax.numpy as jnp
from jax import lax
from jax.experimental import pallas as pl
from jax.experimental.pallas import tpu as pltpu
from jax.experimental.pallas import tpu_sc as plsc


def _sc_broadcast_rows(pe2d, batch, length):
    d = pe2d.shape[1]
    info = plsc.get_sparse_core_info()
    nc, ns = info.num_cores, info.num_subcores
    nw = nc * ns
    slab = 32
    rows_per_w = -(-length // nw)
    rows_per_w = -(-rows_per_w // slab) * slab
    nslab = rows_per_w // slab
    assert length >= rows_per_w

    mesh = plsc.ScalarSubcoreMesh(axis_name="c")
    chunk = 512
    half = -(-length // (2 * chunk))
    nbuf = 3

    @functools.partial(
        pl.kernel,
        mesh=mesh,
        out_type=jax.ShapeDtypeStruct((batch, length, d), jnp.float32),
        scratch_types=[
            [pltpu.VMEM_SHARED((chunk, d), jnp.float32) for _ in range(nbuf)],
            [pltpu.SemaphoreType.DMA for _ in range(nbuf)],
            [pltpu.SemaphoreType.DMA for _ in range(nbuf)],
        ],
        compiler_params=pltpu.CompilerParams(use_tc_tiling_on_sc=False),
    )
    def k(pe_hbm, out_hbm, bufs, gsems, wsems):
        sid = lax.axis_index("c")

        def base(i):
            return jnp.minimum((sid * half + i) * chunk, length - chunk)

        def gcopy(i):
            return pltpu.make_async_copy(
                pe_hbm.at[pl.ds(base(i), chunk), :],
                bufs[i % nbuf], gsems[i % nbuf])

        def wcopy(i, b):
            return pltpu.make_async_copy(
                bufs[i % nbuf],
                out_hbm.at[b, pl.ds(base(i), chunk), :],
                wsems[i % nbuf])

        gcopy(0).start()
        if half > 1:
            gcopy(1).start()
        for i in range(half):
            gcopy(i).wait()
            for b in range(batch):
                wcopy(i, b).start()
            if i > 0:
                for b in range(batch):
                    wcopy(i - 1, b).wait()
            if i + 2 < half:
                gcopy(i + 2).start()
        for b in range(batch):
            wcopy(half - 1, b).wait()

    return k(pe2d)


def kernel(x, pe):
    b, s, _ = x.shape
    length = 2 * s - 1
    return _sc_broadcast_rows(pe[0], b, length)

# --- scband reference (transcript-rebuilt; emitter-appended) ---
"""Pipeline reference for scband-rel-pos-encoding-11201274708220 (READ-ONLY COPY).

The authoritative reference and input builder live on the scoring server;
editing this copy changes nothing except your own understanding.
"""

import jax, jax.numpy as jnp
import numpy as np

D_MODEL = 1024
MAX_LEN = 10000

def _build_pe():
    pe = np.zeros((MAX_LEN, D_MODEL), dtype=np.float32)
    position = np.arange(0, MAX_LEN, dtype=np.float32)[:, None]
    div_term = np.exp(np.arange(0, D_MODEL, 2, dtype=np.float32) * -(np.log(10000.0) / D_MODEL))
    pe[:, 0::2] = np.sin(position * div_term)
    pe[:, 1::2] = np.cos(position * div_term)
    return jnp.asarray(pe[None, :, :])  # [1, max_len, d_model]

def setup_inputs(seed: int = 0) -> dict:
    key = jax.random.key(seed)
    x = jax.random.normal(key, (4, 4096, 1024), dtype=jnp.float32)
    pe = _build_pe()
    return {"x": x, "pe": pe}

def reference(x, pe):
    # rel_att_type='xl': pos_emb = pe[0, :2*seq_len-1, :].repeat(batch, 1, 1); dropout is identity in eval
    B, S, _ = x.shape
    length = 2 * S - 1
    pos = pe[0, :length, :]                      # gather/slice from positional table
    pos_emb = jnp.tile(pos[None, :, :], (B, 1, 1))  # [B, 2S-1, d_model]
    return pos_emb

if __name__ == "__main__":
    import jax
    _d = setup_inputs()
    print(jax.jit(kernel)(*tuple(_d.values())))

</pallas_src>

<mosaic_0001>
#map = affine_map<(d0) -> (0, 0)>
#map1 = affine_map<(d0) -> (0, 0, 0)>
module attributes {stable_mosaic.version = 14 : i64} {
  func.func @k(%arg0: i32, %arg1: memref<10000x1024xf32, #tpu.memory_space<hbm>>, %arg2: memref<4x8191x1024xf32, #tpu.memory_space<hbm>>, %arg3: memref<512x1024xf32, #tpu.memory_space<vmem_shared>>, %arg4: memref<512x1024xf32, #tpu.memory_space<vmem_shared>>, %arg5: memref<512x1024xf32, #tpu.memory_space<vmem_shared>>, %arg6: memref<!tpu.dma_semaphore, #tpu.memory_space<semaphore_mem>>, %arg7: memref<!tpu.dma_semaphore, #tpu.memory_space<semaphore_mem>>, %arg8: memref<!tpu.dma_semaphore, #tpu.memory_space<semaphore_mem>>, %arg9: memref<!tpu.dma_semaphore, #tpu.memory_space<semaphore_mem>>, %arg10: memref<!tpu.dma_semaphore, #tpu.memory_space<semaphore_mem>>, %arg11: memref<!tpu.dma_semaphore, #tpu.memory_space<semaphore_mem>>) attributes {dimension_semantics = [#tpu.dimension_semantics<core_parallel>], iteration_bounds = array<i64: 2>, scalar_prefetch = 0 : i64, scratch_operands = 9 : i64, tpu.core_type = #tpu.core_type<sc_scalar_subcore>, window_params = [{transform_indices = #map}, {transform_indices = #map1}]} {
    %mul3A = arith.constant 8 : i32
    %mul3A_0 = arith.muli %arg0, %mul3A : i32
    %add3A = arith.constant 0 : i32
    %add3A_1 = arith.addi %mul3A_0, %add3A : i32
    %mul3A_2 = arith.constant 512 : i32
    %mul3A_3 = arith.muli %add3A_1, %mul3A_2 : i32
    %min3A = arith.constant 7679 : i32
    %min3A_4 = arith.minsi %mul3A_3, %min3A : i32
    %dma_start3A = arith.constant 0 : i32
    %dma_start3A_5 = tpu.memref_slice %arg1[%min3A_4, %dma_start3A] : memref<10000x1024xf32, #tpu.memory_space<hbm>> -> memref<512x1024xf32, #tpu.memory_space<hbm>>
    tpu.enqueue_dma source(%dma_start3A_5 : memref<512x1024xf32, #tpu.memory_space<hbm>>) target(%arg3 : memref<512x1024xf32, #tpu.memory_space<vmem_shared>>) target_semaphore(%arg6 : memref<!tpu.dma_semaphore, #tpu.memory_space<semaphore_mem>>)
    %mul3A_6 = arith.constant 8 : i32
    %mul3A_7 = arith.muli %arg0, %mul3A_6 : i32
    %add3A_8 = arith.constant 1 : i32
    %add3A_9 = arith.addi %mul3A_7, %add3A_8 : i32
    %mul3A_10 = arith.constant 512 : i32
    %mul3A_11 = arith.muli %add3A_9, %mul3A_10 : i32
    %min3A_12 = arith.constant 7679 : i32
    %min3A_13 = arith.minsi %mul3A_11, %min3A_12 : i32
    %dma_start3A_14 = arith.constant 0 : i32
    %dma_start3A_15 = tpu.memref_slice %arg1[%min3A_13, %dma_start3A_14] : memref<10000x1024xf32, #tpu.memory_space<hbm>> -> memref<512x1024xf32, #tpu.memory_space<hbm>>
    tpu.enqueue_dma source(%dma_start3A_15 : memref<512x1024xf32, #tpu.memory_space<hbm>>) target(%arg4 : memref<512x1024xf32, #tpu.memory_space<vmem_shared>>) target_semaphore(%arg7 : memref<!tpu.dma_semaphore, #tpu.memory_space<semaphore_mem>>)
    %mul3A_16 = arith.constant 8 : i32
    %mul3A_17 = arith.muli %arg0, %mul3A_16 : i32
    %add3A_18 = arith.constant 0 : i32
    %add3A_19 = arith.addi %mul3A_17, %add3A_18 : i32
    %mul3A_20 = arith.constant 512 : i32
    %mul3A_21 = arith.muli %add3A_19, %mul3A_20 : i32
    %min3A_22 = arith.constant 7679 : i32
    %min3A_23 = arith.minsi %mul3A_21, %min3A_22 : i32
    %dma_wait3A = arith.constant 0 : i32
    %dma_wait3A_24 = tpu.memref_slice %arg1[%min3A_23, %dma_wait3A] : memref<10000x1024xf32, #tpu.memory_space<hbm>> -> memref<512x1024xf32, #tpu.memory_space<hbm>>
    tpu.wait_dma2 semaphore(%arg6 : memref<!tpu.dma_semaphore, #tpu.memory_space<semaphore_mem>>) src(%dma_wait3A_24 : memref<512x1024xf32, #tpu.memory_space<hbm>>) dst(%arg3 : memref<512x1024xf32, #tpu.memory_space<vmem_shared>>)
    %mul3A_25 = arith.constant 8 : i32
    %mul3A_26 = arith.muli %arg0, %mul3A_25 : i32
    %add3A_27 = arith.constant 0 : i32
    %add3A_28 = arith.addi %mul3A_26, %add3A_27 : i32
    %mul3A_29 = arith.constant 512 : i32
    %mul3A_30 = arith.muli %add3A_28, %mul3A_29 : i32
    %min3A_31 = arith.constant 7679 : i32
    %min3A_32 = arith.minsi %mul3A_30, %min3A_31 : i32
    %dma_start3A_33 = arith.constant 0 : i32
    %dma_start3A_34 = arith.constant 0 : i32
    %dma_start3A_35 = tpu.memref_slice %arg2[%dma_start3A_33, %min3A_32, %dma_start3A_34] : memref<4x8191x1024xf32, #tpu.memory_space<hbm>> -> memref<1x512x1024xf32, #tpu.memory_space<hbm>>
    %dma_start3A_36 = tpu.memref_squeeze %dma_start3A_35 : memref<1x512x1024xf32, #tpu.memory_space<hbm>> -> memref<512x1024xf32, #tpu.memory_space<hbm>>
    tpu.enqueue_dma source(%arg3 : memref<512x1024xf32, #tpu.memory_space<vmem_shared>>) target(%dma_start3A_36 : memref<512x1024xf32, #tpu.memory_space<hbm>>) target_semaphore(%arg9 : memref<!tpu.dma_semaphore, #tpu.memory_space<semaphore_mem>>)
    %mul3A_37 = arith.constant 8 : i32
    %mul3A_38 = arith.muli %arg0, %mul3A_37 : i32
    %add3A_39 = arith.constant 0 : i32
    %add3A_40 = arith.addi %mul3A_38, %add3A_39 : i32
    %mul3A_41 = arith.constant 512 : i32
    %mul3A_42 = arith.muli %add3A_40, %mul3A_41 : i32
    %min3A_43 = arith.constant 7679 : i32
    %min3A_44 = arith.minsi %mul3A_42, %min3A_43 : i32
    %dma_start3A_45 = arith.constant 1 : i32
    %dma_start3A_46 = arith.constant 0 : i32
    %dma_start3A_47 = tpu.memref_slice %arg2[%dma_start3A_45, %min3A_44, %dma_start3A_46] : memref<4x8191x1024xf32, #tpu.memory_space<hbm>> -> memref<1x512x1024xf32, #tpu.memory_space<hbm>>
    %dma_start3A_48 = tpu.memref_squeeze %dma_start3A_47 : memref<1x512x1024xf32, #tpu.memory_space<hbm>> -> memref<512x1024xf32, #tpu.memory_space<hbm>>
    tpu.enqueue_dma source(%arg3 : memref<512x1024xf32, #tpu.memory_space<vmem_shared>>) target(%dma_start3A_48 : memref<512x1024xf32, #tpu.memory_space<hbm>>) target_semaphore(%arg9 : memref<!tpu.dma_semaphore, #tpu.memory_space<semaphore_mem>>)
    %mul3A_49 = arith.constant 8 : i32
    %mul3A_50 = arith.muli %arg0, %mul3A_49 : i32
    %add3A_51 = arith.constant 0 : i32
    %add3A_52 = arith.addi %mul3A_50, %add3A_51 : i32
    %mul3A_53 = arith.constant 512 : i32
    %mul3A_54 = arith.muli %add3A_52, %mul3A_53 : i32
    %min3A_55 = arith.constant 7679 : i32
    %min3A_56 = arith.minsi %mul3A_54, %min3A_55 : i32
    %dma_start3A_57 = arith.constant 2 : i32
    %dma_start3A_58 = arith.constant 0 : i32
    %dma_start3A_59 = tpu.memref_slice %arg2[%dma_start3A_57, %min3A_56, %dma_start3A_58] : memref<4x8191x1024xf32, #tpu.memory_space<hbm>> -> memref<1x512x1024xf32, #tpu.memory_space<hbm>>
    %dma_start3A_60 = tpu.memref_squeeze %dma_start3A_59 : memref<1x512x1024xf32, #tpu.memory_space<hbm>> -> memref<512x1024xf32, #tpu.memory_space<hbm>>
    tpu.enqueue_dma source(%arg3 : memref<512x1024xf32, #tpu.memory_space<vmem_shared>>) target(%dma_start3A_60 : memref<512x1024xf32, #tpu.memory_space<hbm>>) target_semaphore(%arg9 : memref<!tpu.dma_semaphore, #tpu.memory_space<semaphore_mem>>)
    %mul3A_61 = arith.constant 8 : i32
    %mul3A_62 = arith.muli %arg0, %mul3A_61 : i32
    %add3A_63 = arith.constant 0 : i32
    %add3A_64 = arith.addi %mul3A_62, %add3A_63 : i32
    %mul3A_65 = arith.constant 512 : i32
    %mul3A_66 = arith.muli %add3A_64, %mul3A_65 : i32
    %min3A_67 = arith.constant 7679 : i32
    %min3A_68 = arith.minsi %mul3A_66, %min3A_67 : i32
    %dma_start3A_69 = arith.constant 3 : i32
    %dma_start3A_70 = arith.constant 0 : i32
    %dma_start3A_71 = tpu.memref_slice %arg2[%dma_start3A_69, %min3A_68, %dma_start3A_70] : memref<4x8191x1024xf32, #tpu.memory_space<hbm>> -> memref<1x512x1024xf32, #tpu.memory_space<hbm>>
    %dma_start3A_72 = tpu.memref_squeeze %dma_start3A_71 : memref<1x512x1024xf32, #tpu.memory_space<hbm>> -> memref<512x1024xf32, #tpu.memory_space<hbm>>
    tpu.enqueue_dma source(%arg3 : memref<512x1024xf32, #tpu.memory_space<vmem_shared>>) target(%dma_start3A_72 : memref<512x1024xf32, #tpu.memory_space<hbm>>) target_semaphore(%arg9 : memref<!tpu.dma_semaphore, #tpu.memory_space<semaphore_mem>>)
    %mul3A_73 = arith.constant 8 : i32
    %mul3A_74 = arith.muli %arg0, %mul3A_73 : i32
    %add3A_75 = arith.constant 2 : i32
    %add3A_76 = arith.addi %mul3A_74, %add3A_75 : i32
    %mul3A_77 = arith.constant 512 : i32
    %mul3A_78 = arith.muli %add3A_76, %mul3A_77 : i32
    %min3A_79 = arith.constant 7679 : i32
    %min3A_80 = arith.minsi %mul3A_78, %min3A_79 : i32
    %dma_start3A_81 = arith.constant 0 : i32
    %dma_start3A_82 = tpu.memref_slice %arg1[%min3A_80, %dma_start3A_81] : memref<10000x1024xf32, #tpu.memory_space<hbm>> -> memref<512x1024xf32, #tpu.memory_space<hbm>>
    tpu.enqueue_dma source(%dma_start3A_82 : memref<512x1024xf32, #tpu.memory_space<hbm>>) target(%arg5 : memref<512x1024xf32, #tpu.memory_space<vmem_shared>>) target_semaphore(%arg8 : memref<!tpu.dma_semaphore, #tpu.memory_space<semaphore_mem>>)
    %mul3A_83 = arith.constant 8 : i32
    %mul3A_84 = arith.muli %arg0, %mul3A_83 : i32
    %add3A_85 = arith.constant 1 : i32
    %add3A_86 = arith.addi %mul3A_84, %add3A_85 : i32
    %mul3A_87 = arith.constant 512 : i32
    %mul3A_88 = arith.muli %add3A_86, %mul3A_87 : i32
    %min3A_89 = arith.constant 7679 : i32
    %min3A_90 = arith.minsi %mul3A_88, %min3A_89 : i32
    %dma_wait3A_91 = arith.constant 0 : i32
    %dma_wait3A_92 = tpu.memref_slice %arg1[%min3A_90, %dma_wait3A_91] : memref<10000x1024xf32, #tpu.memory_space<hbm>> -> memref<512x1024xf32, #tpu.memory_space<hbm>>
    tpu.wait_dma2 semaphore(%arg7 : memref<!tpu.dma_semaphore, #tpu.memory_space<semaphore_mem>>) src(%dma_wait3A_92 : memref<512x1024xf32, #tpu.memory_space<hbm>>) dst(%arg4 : memref<512x1024xf32, #tpu.memory_space<vmem_shared>>)
    %mul3A_93 = arith.constant 8 : i32
    %mul3A_94 = arith.muli %arg0, %mul3A_93 : i32
    %add3A_95 = arith.constant 1 : i32
    %add3A_96 = arith.addi %mul3A_94, %add3A_95 : i32
    %mul3A_97 = arith.constant 512 : i32
    %mul3A_98 = arith.muli %add3A_96, %mul3A_97 : i32
    %min3A_99 = arith.constant 7679 : i32
    %min3A_100 = arith.minsi %mul3A_98, %min3A_99 : i32
    %dma_start3A_101 = arith.constant 0 : i32
    %dma_start3A_102 = arith.constant 0 : i32
    %dma_start3A_103 = tpu.memref_slice %arg2[%dma_start3A_101, %min3A_100, %dma_start3A_102] : memref<4x8191x1024xf32, #tpu.memory_space<hbm>> -> memref<1x512x1024xf32, #tpu.memory_space<hbm>>
    %dma_start3A_104 = tpu.memref_squeeze %dma_start3A_103 : memref<1x512x1024xf32, #tpu.memory_space<hbm>> -> memref<512x1024xf32, #tpu.memory_space<hbm>>
    tpu.enqueue_dma source(%arg4 : memref<512x1024xf32, #tpu.memory_space<vmem_shared>>) target(%dma_start3A_104 : memref<512x1024xf32, #tpu.memory_space<hbm>>) target_semaphore(%arg10 : memref<!tpu.dma_semaphore, #tpu.memory_space<semaphore_mem>>)
    %mul3A_105 = arith.constant 8 : i32
    %mul3A_106 = arith.muli %arg0, %mul3A_105 : i32
    %add3A_107 = arith.constant 1 : i32
    %add3A_108 = arith.addi %mul3A_106, %add3A_107 : i32
    %mul3A_109 = arith.constant 512 : i32
    %mul3A_110 = arith.muli %add3A_108, %mul3A_109 : i32
    %min3A_111 = arith.constant 7679 : i32
    %min3A_112 = arith.minsi %mul3A_110, %min3A_111 : i32
    %dma_start3A_113 = arith.constant 1 : i32
    %dma_start3A_114 = arith.constant 0 : i32
    %dma_start3A_115 = tpu.memref_slice %arg2[%dma_start3A_113, %min3A_112, %dma_start3A_114] : memref<4x8191x1024xf32, #tpu.memory_space<hbm>> -> memref<1x512x1024xf32, #tpu.memory_space<hbm>>
    %dma_start3A_116 = tpu.memref_squeeze %dma_start3A_115 : memref<1x512x1024xf32, #tpu.memory_space<hbm>> -> memref<512x1024xf32, #tpu.memory_space<hbm>>
    tpu.enqueue_dma source(%arg4 : memref<512x1024xf32, #tpu.memory_space<vmem_shared>>) target(%dma_start3A_116 : memref<512x1024xf32, #tpu.memory_space<hbm>>) target_semaphore(%arg10 : memref<!tpu.dma_semaphore, #tpu.memory_space<semaphore_mem>>)
    %mul3A_117 = arith.constant 8 : i32
    %mul3A_118 = arith.muli %arg0, %mul3A_117 : i32
    %add3A_119 = arith.constant 1 : i32
    %add3A_120 = arith.addi %mul3A_118, %add3A_119 : i32
    %mul3A_121 = arith.constant 512 : i32
    %mul3A_122 = arith.muli %add3A_120, %mul3A_121 : i32
    %min3A_123 = arith.constant 7679 : i32
    %min3A_124 = arith.minsi %mul3A_122, %min3A_123 : i32
    %dma_start3A_125 = arith.constant 2 : i32
    %dma_start3A_126 = arith.constant 0 : i32
    %dma_start3A_127 = tpu.memref_slice %arg2[%dma_start3A_125, %min3A_124, %dma_start3A_126] : memref<4x8191x1024xf32, #tpu.memory_space<hbm>> -> memref<1x512x1024xf32, #tpu.memory_space<hbm>>
    %dma_start3A_128 = tpu.memref_squeeze %dma_start3A_127 : memref<1x512x1024xf32, #tpu.memory_space<hbm>> -> memref<512x1024xf32, #tpu.memory_space<hbm>>
    tpu.enqueue_dma source(%arg4 : memref<512x1024xf32, #tpu.memory_space<vmem_shared>>) target(%dma_start3A_128 : memref<512x1024xf32, #tpu.memory_space<hbm>>) target_semaphore(%arg10 : memref<!tpu.dma_semaphore, #tpu.memory_space<semaphore_mem>>)
    %mul3A_129 = arith.constant 8 : i32
    %mul3A_130 = arith.muli %arg0, %mul3A_129 : i32
    %add3A_131 = arith.constant 1 : i32
    %add3A_132 = arith.addi %mul3A_130, %add3A_131 : i32
    %mul3A_133 = arith.constant 512 : i32
    %mul3A_134 = arith.muli %add3A_132, %mul3A_133 : i32
    %min3A_135 = arith.constant 7679 : i32
    %min3A_136 = arith.minsi %mul3A_134, %min3A_135 : i32
    %dma_start3A_137 = arith.constant 3 : i32
    %dma_start3A_138 = arith.constant 0 : i32
    %dma_start3A_139 = tpu.memref_slice %arg2[%dma_start3A_137, %min3A_136, %dma_start3A_138] : memref<4x8191x1024xf32, #tpu.memory_space<hbm>> -> memref<1x512x1024xf32, #tpu.memory_space<hbm>>
    %dma_start3A_140 = tpu.memref_squeeze %dma_start3A_139 : memref<1x512x1024xf32, #tpu.memory_space<hbm>> -> memref<512x1024xf32, #tpu.memory_space<hbm>>
    tpu.enqueue_dma source(%arg4 : memref<512x1024xf32, #tpu.memory_space<vmem_shared>>) target(%dma_start3A_140 : memref<512x1024xf32, #tpu.memory_space<hbm>>) target_semaphore(%arg10 : memref<!tpu.dma_semaphore, #tpu.memory_space<semaphore_mem>>)
    %mul3A_141 = arith.constant 8 : i32
    %mul3A_142 = arith.muli %arg0, %mul3A_141 : i32
    %add3A_143 = arith.constant 0 : i32
    %add3A_144 = arith.addi %mul3A_142, %add3A_143 : i32
    %mul3A_145 = arith.constant 512 : i32
    %mul3A_146 = arith.muli %add3A_144, %mul3A_145 : i32
    %min3A_147 = arith.constant 7679 : i32
    %min3A_148 = arith.minsi %mul3A_146, %min3A_147 : i32
    %dma_wait3A_149 = arith.constant 0 : i32
    %dma_wait3A_150 = arith.constant 0 : i32
    %dma_wait3A_151 = tpu.memref_slice %arg2[%dma_wait3A_149, %min3A_148, %dma_wait3A_150] : memref<4x8191x1024xf32, #tpu.memory_space<hbm>> -> memref<1x512x1024xf32, #tpu.memory_space<hbm>>
    %dma_wait3A_152 = tpu.memref_squeeze %dma_wait3A_151 : memref<1x512x1024xf32, #tpu.memory_space<hbm>> -> memref<512x1024xf32, #tpu.memory_space<hbm>>
    tpu.wait_dma2 semaphore(%arg9 : memref<!tpu.dma_semaphore, #tpu.memory_space<semaphore_mem>>) src(%arg3 : memref<512x1024xf32, #tpu.memory_space<vmem_shared>>) dst(%dma_wait3A_152 : memref<512x1024xf32, #tpu.memory_space<hbm>>)
    %mul3A_153 = arith.constant 8 : i32
    %mul3A_154 = arith.muli %arg0, %mul3A_153 : i32
    %add3A_155 = arith.constant 0 : i32
    %add3A_156 = arith.addi %mul3A_154, %add3A_155 : i32
    %mul3A_157 = arith.constant 512 : i32
    %mul3A_158 = arith.muli %add3A_156, %mul3A_157 : i32
    %min3A_159 = arith.constant 7679 : i32
    %min3A_160 = arith.minsi %mul3A_158, %min3A_159 : i32
    %dma_wait3A_161 = arith.constant 1 : i32
    %dma_wait3A_162 = arith.constant 0 : i32
    %dma_wait3A_163 = tpu.memref_slice %arg2[%dma_wait3A_161, %min3A_160, %dma_wait3A_162] : memref<4x8191x1024xf32, #tpu.memory_space<hbm>> -> memref<1x512x1024xf32, #tpu.memory_space<hbm>>
    %dma_wait3A_164 = tpu.memref_squeeze %dma_wait3A_163 : memref<1x512x1024xf32, #tpu.memory_space<hbm>> -> memref<512x1024xf32, #tpu.memory_space<hbm>>
    tpu.wait_dma2 semaphore(%arg9 : memref<!tpu.dma_semaphore, #tpu.memory_space<semaphore_mem>>) src(%arg3 : memref<512x1024xf32, #tpu.memory_space<vmem_shared>>) dst(%dma_wait3A_164 : memref<512x1024xf32, #tpu.memory_space<hbm>>)
    %mul3A_165 = arith.constant 8 : i32
    %mul3A_166 = arith.muli %arg0, %mul3A_165 : i32
    %add3A_167 = arith.constant 0 : i32
    %add3A_168 = arith.addi %mul3A_166, %add3A_167 : i32
    %mul3A_169 = arith.constant 512 : i32
    %mul3A_170 = arith.muli %add3A_168, %mul3A_169 : i32
    %min3A_171 = arith.constant 7679 : i32
    %min3A_172 = arith.minsi %mul3A_170, %min3A_171 : i32
    %dma_wait3A_173 = arith.constant 2 : i32
    %dma_wait3A_174 = arith.constant 0 : i32
    %dma_wait3A_175 = tpu.memref_slice %arg2[%dma_wait3A_173, %min3A_172, %dma_wait3A_174] : memref<4x8191x1024xf32, #tpu.memory_space<hbm>> -> memref<1x512x1024xf32, #tpu.memory_space<hbm>>
    %dma_wait3A_176 = tpu.memref_squeeze %dma_wait3A_175 : memref<1x512x1024xf32, #tpu.memory_space<hbm>> -> memref<512x1024xf32, #tpu.memory_space<hbm>>
    tpu.wait_dma2 semaphore(%arg9 : memref<!tpu.dma_semaphore, #tpu.memory_space<semaphore_mem>>) src(%arg3 : memref<512x1024xf32, #tpu.memory_space<vmem_shared>>) dst(%dma_wait3A_176 : memref<512x1024xf32, #tpu.memory_space<hbm>>)
    %mul3A_177 = arith.constant 8 : i32
    %mul3A_178 = arith.muli %arg0, %mul3A_177 : i32
    %add3A_179 = arith.constant 0 : i32
    %add3A_180 = arith.addi %mul3A_178, %add3A_179 : i32
    %mul3A_181 = arith.constant 512 : i32
    %mul3A_182 = arith.muli %add3A_180, %mul3A_181 : i32
    %min3A_183 = arith.constant 7679 : i32
    %min3A_184 = arith.minsi %mul3A_182, %min3A_183 : i32
    %dma_wait3A_185 = arith.constant 3 : i32
    %dma_wait3A_186 = arith.constant 0 : i32
    %dma_wait3A_187 = tpu.memref_slice %arg2[%dma_wait3A_185, %min3A_184, %dma_wait3A_186] : memref<4x8191x1024xf32, #tpu.memory_space<hbm>> -> memref<1x512x1024xf32, #tpu.memory_space<hbm>>
    %dma_wait3A_188 = tpu.memref_squeeze %dma_wait3A_187 : memref<1x512x1024xf32, #tpu.memory_space<hbm>> -> memref<512x1024xf32, #tpu.memory_space<hbm>>
    tpu.wait_dma2 semaphore(%arg9 : memref<!tpu.dma_semaphore, #tpu.memory_space<semaphore_mem>>) src(%arg3 : memref<512x1024xf32, #tpu.memory_space<vmem_shared>>) dst(%dma_wait3A_188 : memref<512x1024xf32, #tpu.memory_space<hbm>>)
    %mul3A_189 = arith.constant 8 : i32
    %mul3A_190 = arith.muli %arg0, %mul3A_189 : i32
    %add3A_191 = arith.constant 3 : i32
    %add3A_192 = arith.addi %mul3A_190, %add3A_191 : i32
    %mul3A_193 = arith.constant 512 : i32
    %mul3A_194 = arith.muli %add3A_192, %mul3A_193 : i32
    %min3A_195 = arith.constant 7679 : i32
    %min3A_196 = arith.minsi %mul3A_194, %min3A_195 : i32
    %dma_start3A_197 = arith.constant 0 : i32
    %dma_start3A_198 = tpu.memref_slice %arg1[%min3A_196, %dma_start3A_197] : memref<10000x1024xf32, #tpu.memory_space<hbm>> -> memref<512x1024xf32, #tpu.memory_space<hbm>>
    tpu.enqueue_dma source(%dma_start3A_198 : memref<512x1024xf32, #tpu.memory_space<hbm>>) target(%arg3 : memref<512x1024xf32, #tpu.memory_space<vmem_shared>>) target_semaphore(%arg6 : memref<!tpu.dma_semaphore, #tpu.memory_space<semaphore_mem>>)
    %mul3A_199 = arith.constant 8 : i32
    %mul3A_200 = arith.muli %arg0, %mul3A_199 : i32
    %add3A_201 = arith.constant 2 : i32
    %add3A_202 = arith.addi %mul3A_200, %add3A_201 : i32
    %mul3A_203 = arith.constant 512 : i32
    %mul3A_204 = arith.muli %add3A_202, %mul3A_203 : i32
    %min3A_205 = arith.constant 7679 : i32
    %min3A_206 = arith.minsi %mul3A_204, %min3A_205 : i32
    %dma_wait3A_207 = arith.constant 0 : i32
    %dma_wait3A_208 = tpu.memref_slice %arg1[%min3A_206, %dma_wait3A_207] : memref<10000x1024xf32, #tpu.memory_space<hbm>> -> memref<512x1024xf32, #tpu.memory_space<hbm>>
    tpu.wait_dma2 semaphore(%arg8 : memref<!tpu.dma_semaphore, #tpu.memory_space<semaphore_mem>>) src(%dma_wait3A_208 : memref<512x1024xf32, #tpu.memory_space<hbm>>) dst(%arg5 : memref<512x1024xf32, #tpu.memory_space<vmem_shared>>)
    %mul3A_209 = arith.constant 8 : i32
    %mul3A_210 = arith.muli %arg0, %mul3A_209 : i32
    %add3A_211 = arith.constant 2 : i32
    %add3A_212 = arith.addi %mul3A_210, %add3A_211 : i32
    %mul3A_213 = arith.constant 512 : i32
    %mul3A_214 = arith.muli %add3A_212, %mul3A_213 : i32
    %min3A_215 = arith.constant 7679 : i32
    %min3A_216 = arith.minsi %mul3A_214, %min3A_215 : i32
    %dma_start3A_217 = arith.constant 0 : i32
    %dma_start3A_218 = arith.constant 0 : i32
    %dma_start3A_219 = tpu.memref_slice %arg2[%dma_start3A_217, %min3A_216, %dma_start3A_218] : memref<4x8191x1024xf32, #tpu.memory_space<hbm>> -> memref<1x512x1024xf32, #tpu.memory_space<hbm>>
    %dma_start3A_220 = tpu.memref_squeeze %dma_start3A_219 : memref<1x512x1024xf32, #tpu.memory_space<hbm>> -> memref<512x1024xf32, #tpu.memory_space<hbm>>
    tpu.enqueue_dma source(%arg5 : memref<512x1024xf32, #tpu.memory_space<vmem_shared>>) target(%dma_start3A_220 : memref<512x1024xf32, #tpu.memory_space<hbm>>) target_semaphore(%arg11 : memref<!tpu.dma_semaphore, #tpu.memory_space<semaphore_mem>>)
    %mul3A_221 = arith.constant 8 : i32
    %mul3A_222 = arith.muli %arg0, %mul3A_221 : i32
    %add3A_223 = arith.constant 2 : i32
    %add3A_224 = arith.addi %mul3A_222, %add3A_223 : i32
    %mul3A_225 = arith.constant 512 : i32
    %mul3A_226 = arith.muli %add3A_224, %mul3A_225 : i32
    %min3A_227 = arith.constant 7679 : i32
    %min3A_228 = arith.minsi %mul3A_226, %min3A_227 : i32
    %dma_start3A_229 = arith.constant 1 : i32
    %dma_start3A_230 = arith.constant 0 : i32
    %dma_start3A_231 = tpu.memref_slice %arg2[%dma_start3A_229, %min3A_228, %dma_start3A_230] : memref<4x8191x1024xf32, #tpu.memory_space<hbm>> -> memref<1x512x1024xf32, #tpu.memory_space<hbm>>
    %dma_start3A_232 = tpu.memref_squeeze %dma_start3A_231 : memref<1x512x1024xf32, #tpu.memory_space<hbm>> -> memref<512x1024xf32, #tpu.memory_space<hbm>>
    tpu.enqueue_dma source(%arg5 : memref<512x1024xf32, #tpu.memory_space<vmem_shared>>) target(%dma_start3A_232 : memref<512x1024xf32, #tpu.memory_space<hbm>>) target_semaphore(%arg11 : memref<!tpu.dma_semaphore, #tpu.memory_space<semaphore_mem>>)
    %mul3A_233 = arith.constant 8 : i32
    %mul3A_234 = arith.muli %arg0, %mul3A_233 : i32
    %add3A_235 = arith.constant 2 : i32
    %add3A_236 = arith.addi %mul3A_234, %add3A_235 : i32
    %mul3A_237 = arith.constant 512 : i32
    %mul3A_238 = arith.muli %add3A_236, %mul3A_237 : i32
    %min3A_239 = arith.constant 7679 : i32
    %min3A_240 = arith.minsi %mul3A_238, %min3A_239 : i32
    %dma_start3A_241 = arith.constant 2 : i32
    %dma_start3A_242 = arith.constant 0 : i32
    %dma_start3A_243 = tpu.memref_slice %arg2[%dma_start3A_241, %min3A_240, %dma_start3A_242] : memref<4x8191x1024xf32, #tpu.memory_space<hbm>> -> memref<1x512x1024xf32, #tpu.memory_space<hbm>>
    %dma_start3A_244 = tpu.memref_squeeze %dma_start3A_243 : memref<1x512x1024xf32, #tpu.memory_space<hbm>> -> memref<512x1024xf32, #tpu.memory_space<hbm>>
    tpu.enqueue_dma source(%arg5 : memref<512x1024xf32, #tpu.memory_space<vmem_shared>>) target(%dma_start3A_244 : memref<512x1024xf32, #tpu.memory_space<hbm>>) target_semaphore(%arg11 : memref<!tpu.dma_semaphore, #tpu.memory_space<semaphore_mem>>)
    %mul3A_245 = arith.constant 8 : i32
    %mul3A_246 = arith.muli %arg0, %mul3A_245 : i32
    %add3A_247 = arith.constant 2 : i32
    %add3A_248 = arith.addi %mul3A_246, %add3A_247 : i32
    %mul3A_249 = arith.constant 512 : i32
    %mul3A_250 = arith.muli %add3A_248, %mul3A_249 : i32
    %min3A_251 = arith.constant 7679 : i32
    %min3A_252 = arith.minsi %mul3A_250, %min3A_251 : i32
    %dma_start3A_253 = arith.constant 3 : i32
    %dma_start3A_254 = arith.constant 0 : i32
    %dma_start3A_255 = tpu.memref_slice %arg2[%dma_start3A_253, %min3A_252, %dma_start3A_254] : memref<4x8191x1024xf32, #tpu.memory_space<hbm>> -> memref<1x512x1024xf32, #tpu.memory_space<hbm>>
    %dma_start3A_256 = tpu.memref_squeeze %dma_start3A_255 : memref<1x512x1024xf32, #tpu.memory_space<hbm>> -> memref<512x1024xf32, #tpu.memory_space<hbm>>
    tpu.enqueue_dma source(%arg5 : memref<512x1024xf32, #tpu.memory_space<vmem_shared>>) target(%dma_start3A_256 : memref<512x1024xf32, #tpu.memory_space<hbm>>) target_semaphore(%arg11 : memref<!tpu.dma_semaphore, #tpu.memory_space<semaphore_mem>>)
    %mul3A_257 = arith.constant 8 : i32
    %mul3A_258 = arith.muli %arg0, %mul3A_257 : i32
    %add3A_259 = arith.constant 1 : i32
    %add3A_260 = arith.addi %mul3A_258, %add3A_259 : i32
    %mul3A_261 = arith.constant 512 : i32
    %mul3A_262 = arith.muli %add3A_260, %mul3A_261 : i32
    %min3A_263 = arith.constant 7679 : i32
    %min3A_264 = arith.minsi %mul3A_262, %min3A_263 : i32
    %dma_wait3A_265 = arith.constant 0 : i32
    %dma_wait3A_266 = arith.constant 0 : i32
    %dma_wait3A_267 = tpu.memref_slice %arg2[%dma_wait3A_265, %min3A_264, %dma_wait3A_266] : memref<4x8191x1024xf32, #tpu.memory_space<hbm>> -> memref<1x512x1024xf32, #tpu.memory_space<hbm>>
    %dma_wait3A_268 = tpu.memref_squeeze %dma_wait3A_267 : memref<1x512x1024xf32, #tpu.memory_space<hbm>> -> memref<512x1024xf32, #tpu.memory_space<hbm>>
    tpu.wait_dma2 semaphore(%arg10 : memref<!tpu.dma_semaphore, #tpu.memory_space<semaphore_mem>>) src(%arg4 : memref<512x1024xf32, #tpu.memory_space<vmem_shared>>) dst(%dma_wait3A_268 : memref<512x1024xf32, #tpu.memory_space<hbm>>)
    %mul3A_269 = arith.constant 8 : i32
    %mul3A_270 = arith.muli %arg0, %mul3A_269 : i32
    %add3A_271 = arith.constant 1 : i32
    %add3A_272 = arith.addi %mul3A_270, %add3A_271 : i32
    %mul3A_273 = arith.constant 512 : i32
    %mul3A_274 = arith.muli %add3A_272, %mul3A_273 : i32
    %min3A_275 = arith.constant 7679 : i32
    %min3A_276 = arith.minsi %mul3A_274, %min3A_275 : i32
    %dma_wait3A_277 = arith.constant 1 : i32
    %dma_wait3A_278 = arith.constant 0 : i32
    %dma_wait3A_279 = tpu.memref_slice %arg2[%dma_wait3A_277, %min3A_276, %dma_wait3A_278] : memref<4x8191x1024xf32, #tpu.memory_space<hbm>> -> memref<1x512x1024xf32, #tpu.memory_space<hbm>>
    %dma_wait3A_280 = tpu.memref_squeeze %dma_wait3A_279 : memref<1x512x1024xf32, #tpu.memory_space<hbm>> -> memref<512x1024xf32, #tpu.memory_space<hbm>>
    tpu.wait_dma2 semaphore(%arg10 : memref<!tpu.dma_semaphore, #tpu.memory_space<semaphore_mem>>) src(%arg4 : memref<512x1024xf32, #tpu.memory_space<vmem_shared>>) dst(%dma_wait3A_280 : memref<512x1024xf32, #tpu.memory_space<hbm>>)
    %mul3A_281 = arith.constant 8 : i32
    %mul3A_282 = arith.muli %arg0, %mul3A_281 : i32
    %add3A_283 = arith.constant 1 : i32
    %add3A_284 = arith.addi %mul3A_282, %add3A_283 : i32
    %mul3A_285 = arith.constant 512 : i32
    %mul3A_286 = arith.muli %add3A_284, %mul3A_285 : i32
    %min3A_287 = arith.constant 7679 : i32
    %min3A_288 = arith.minsi %mul3A_286, %min3A_287 : i32
    %dma_wait3A_289 = arith.constant 2 : i32
    %dma_wait3A_290 = arith.constant 0 : i32
    %dma_wait3A_291 = tpu.memref_slice %arg2[%dma_wait3A_289, %min3A_288, %dma_wait3A_290] : memref<4x8191x1024xf32, #tpu.memory_space<hbm>> -> memref<1x512x1024xf32, #tpu.memory_space<hbm>>
    %dma_wait3A_292 = tpu.memref_squeeze %dma_wait3A_291 : memref<1x512x1024xf32, #tpu.memory_space<hbm>> -> memref<512x1024xf32, #tpu.memory_space<hbm>>
    tpu.wait_dma2 semaphore(%arg10 : memref<!tpu.dma_semaphore, #tpu.memory_space<semaphore_mem>>) src(%arg4 : memref<512x1024xf32, #tpu.memory_space<vmem_shared>>) dst(%dma_wait3A_292 : memref<512x1024xf32, #tpu.memory_space<hbm>>)
    %mul3A_293 = arith.constant 8 : i32
    %mul3A_294 = arith.muli %arg0, %mul3A_293 : i32
    %add3A_295 = arith.constant 1 : i32
    %add3A_296 = arith.addi %mul3A_294, %add3A_295 : i32
    %mul3A_297 = arith.constant 512 : i32
    %mul3A_298 = arith.muli %add3A_296, %mul3A_297 : i32
    %min3A_299 = arith.constant 7679 : i32
    %min3A_300 = arith.minsi %mul3A_298, %min3A_299 : i32
    %dma_wait3A_301 = arith.constant 3 : i32
    %dma_wait3A_302 = arith.constant 0 : i32
    %dma_wait3A_303 = tpu.memref_slice %arg2[%dma_wait3A_301, %min3A_300, %dma_wait3A_302] : memref<4x8191x1024xf32, #tpu.memory_space<hbm>> -> memref<1x512x1024xf32, #tpu.memory_space<hbm>>
    %dma_wait3A_304 = tpu.memref_squeeze %dma_wait3A_303 : memref<1x512x1024xf32, #tpu.memory_space<hbm>> -> memref<512x1024xf32, #tpu.memory_space<hbm>>
    tpu.wait_dma2 semaphore(%arg10 : memref<!tpu.dma_semaphore, #tpu.memory_space<semaphore_mem>>) src(%arg4 : memref<512x1024xf32, #tpu.memory_space<vmem_shared>>) dst(%dma_wait3A_304 : memref<512x1024xf32, #tpu.memory_space<hbm>>)
    %mul3A_305 = arith.constant 8 : i32
    %mul3A_306 = arith.muli %arg0, %mul3A_305 : i32
    %add3A_307 = arith.constant 4 : i32
    %add3A_308 = arith.addi %mul3A_306, %add3A_307 : i32
    %mul3A_309 = arith.constant 512 : i32
    %mul3A_310 = arith.muli %add3A_308, %mul3A_309 : i32
    %min3A_311 = arith.constant 7679 : i32
    %min3A_312 = arith.minsi %mul3A_310, %min3A_311 : i32
    %dma_start3A_313 = arith.constant 0 : i32
    %dma_start3A_314 = tpu.memref_slice %arg1[%min3A_312, %dma_start3A_313] : memref<10000x1024xf32, #tpu.memory_space<hbm>> -> memref<512x1024xf32, #tpu.memory_space<hbm>>
    tpu.enqueue_dma source(%dma_start3A_314 : memref<512x1024xf32, #tpu.memory_space<hbm>>) target(%arg4 : memref<512x1024xf32, #tpu.memory_space<vmem_shared>>) target_semaphore(%arg7 : memref<!tpu.dma_semaphore, #tpu.memory_space<semaphore_mem>>)
    %mul3A_315 = arith.constant 8 : i32
    %mul3A_316 = arith.muli %arg0, %mul3A_315 : i32
    %add3A_317 = arith.constant 3 : i32
    %add3A_318 = arith.addi %mul3A_316, %add3A_317 : i32
    %mul3A_319 = arith.constant 512 : i32
    %mul3A_320 = arith.muli %add3A_318, %mul3A_319 : i32
    %min3A_321 = arith.constant 7679 : i32
    %min3A_322 = arith.minsi %mul3A_320, %min3A_321 : i32
    %dma_wait3A_323 = arith.constant 0 : i32
    %dma_wait3A_324 = tpu.memref_slice %arg1[%min3A_322, %dma_wait3A_323] : memref<10000x1024xf32, #tpu.memory_space<hbm>> -> memref<512x1024xf32, #tpu.memory_space<hbm>>
    tpu.wait_dma2 semaphore(%arg6 : memref<!tpu.dma_semaphore, #tpu.memory_space<semaphore_mem>>) src(%dma_wait3A_324 : memref<512x1024xf32, #tpu.memory_space<hbm>>) dst(%arg3 : memref<512x1024xf32, #tpu.memory_space<vmem_shared>>)
    %mul3A_325 = arith.constant 8 : i32
    %mul3A_326 = arith.muli %arg0, %mul3A_325 : i32
    %add3A_327 = arith.constant 3 : i32
    %add3A_328 = arith.addi %mul3A_326, %add3A_327 : i32
    %mul3A_329 = arith.constant 512 : i32
    %mul3A_330 = arith.muli %add3A_328, %mul3A_329 : i32
    %min3A_331 = arith.constant 7679 : i32
    %min3A_332 = arith.minsi %mul3A_330, %min3A_331 : i32
    %dma_start3A_333 = arith.constant 0 : i32
    %dma_start3A_334 = arith.constant 0 : i32
    %dma_start3A_335 = tpu.memref_slice %arg2[%dma_start3A_333, %min3A_332, %dma_start3A_334] : memref<4x8191x1024xf32, #tpu.memory_space<hbm>> -> memref<1x512x1024xf32, #tpu.memory_space<hbm>>
    %dma_start3A_336 = tpu.memref_squeeze %dma_start3A_335 : memref<1x512x1024xf32, #tpu.memory_space<hbm>> -> memref<512x1024xf32, #tpu.memory_space<hbm>>
    tpu.enqueue_dma source(%arg3 : memref<512x1024xf32, #tpu.memory_space<vmem_shared>>) target(%dma_start3A_336 : memref<512x1024xf32, #tpu.memory_space<hbm>>) target_semaphore(%arg9 : memref<!tpu.dma_semaphore, #tpu.memory_space<semaphore_mem>>)
    %mul3A_337 = arith.constant 8 : i32
    %mul3A_338 = arith.muli %arg0, %mul3A_337 : i32
    %add3A_339 = arith.constant 3 : i32
    %add3A_340 = arith.addi %mul3A_338, %add3A_339 : i32
    %mul3A_341 = arith.constant 512 : i32
    %mul3A_342 = arith.muli %add3A_340, %mul3A_341 : i32
    %min3A_343 = arith.constant 7679 : i32
    %min3A_344 = arith.minsi %mul3A_342, %min3A_343 : i32
    %dma_start3A_345 = arith.constant 1 : i32
    %dma_start3A_346 = arith.constant 0 : i32
    %dma_start3A_347 = tpu.memref_slice %arg2[%dma_start3A_345, %min3A_344, %dma_start3A_346] : memref<4x8191x1024xf32, #tpu.memory_space<hbm>> -> memref<1x512x1024xf32, #tpu.memory_space<hbm>>
    %dma_start3A_348 = tpu.memref_squeeze %dma_start3A_347 : memref<1x512x1024xf32, #tpu.memory_space<hbm>> -> memref<512x1024xf32, #tpu.memory_space<hbm>>
    tpu.enqueue_dma source(%arg3 : memref<512x1024xf32, #tpu.memory_space<vmem_shared>>) target(%dma_start3A_348 : memref<512x1024xf32, #tpu.memory_space<hbm>>) target_semaphore(%arg9 : memref<!tpu.dma_semaphore, #tpu.memory_space<semaphore_mem>>)
    %mul3A_349 = arith.constant 8 : i32
    %mul3A_350 = arith.muli %arg0, %mul3A_349 : i32
    %add3A_351 = arith.constant 3 : i32
    %add3A_352 = arith.addi %mul3A_350, %add3A_351 : i32
    %mul3A_353 = arith.constant 512 : i32
    %mul3A_354 = arith.muli %add3A_352, %mul3A_353 : i32
    %min3A_355 = arith.constant 7679 : i32
    %min3A_356 = arith.minsi %mul3A_354, %min3A_355 : i32
    %dma_start3A_357 = arith.constant 2 : i32
    %dma_start3A_358 = arith.constant 0 : i32
    %dma_start3A_359 = tpu.memref_slice %arg2[%dma_start3A_357, %min3A_356, %dma_start3A_358] : memref<4x8191x1024xf32, #tpu.memory_space<hbm>> -> memref<1x512x1024xf32, #tpu.memory_space<hbm>>
    %dma_start3A_360 = tpu.memref_squeeze %dma_start3A_359 : memref<1x512x1024xf32, #tpu.memory_space<hbm>> -> memref<512x1024xf32, #tpu.memory_space<hbm>>
    tpu.enqueue_dma source(%arg3 : memref<512x1024xf32, #tpu.memory_space<vmem_shared>>) target(%dma_start3A_360 : memref<512x1024xf32, #tpu.memory_space<hbm>>) target_semaphore(%arg9 : memref<!tpu.dma_semaphore, #tpu.memory_space<semaphore_mem>>)
    %mul3A_361 = arith.constant 8 : i32
    %mul3A_362 = arith.muli %arg0, %mul3A_361 : i32
    %add3A_363 = arith.constant 3 : i32
    %add3A_364 = arith.addi %mul3A_362, %add3A_363 : i32
    %mul3A_365 = arith.constant 512 : i32
    %mul3A_366 = arith.muli %add3A_364, %mul3A_365 : i32
    %min3A_367 = arith.constant 7679 : i32
    %min3A_368 = arith.minsi %mul3A_366, %min3A_367 : i32
    %dma_start3A_369 = arith.constant 3 : i32
    %dma_start3A_370 = arith.constant 0 : i32
    %dma_start3A_371 = tpu.memref_slice %arg2[%dma_start3A_369, %min3A_368, %dma_start3A_370] : memref<4x8191x1024xf32, #tpu.memory_space<hbm>> -> memref<1x512x1024xf32, #tpu.memory_space<hbm>>
    %dma_start3A_372 = tpu.memref_squeeze %dma_start3A_371 : memref<1x512x1024xf32, #tpu.memory_space<hbm>> -> memref<512x1024xf32, #tpu.memory_space<hbm>>
    tpu.enqueue_dma source(%arg3 : memref<512x1024xf32, #tpu.memory_space<vmem_shared>>) target(%dma_start3A_372 : memref<512x1024xf32, #tpu.memory_space<hbm>>) target_semaphore(%arg9 : memref<!tpu.dma_semaphore, #tpu.memory_space<semaphore_mem>>)
    %mul3A_373 = arith.constant 8 : i32
    %mul3A_374 = arith.muli %arg0, %mul3A_373 : i32
    %add3A_375 = arith.constant 2 : i32
    %add3A_376 = arith.addi %mul3A_374, %add3A_375 : i32
    %mul3A_377 = arith.constant 512 : i32
    %mul3A_378 = arith.muli %add3A_376, %mul3A_377 : i32
    %min3A_379 = arith.constant 7679 : i32
    %min3A_380 = arith.minsi %mul3A_378, %min3A_379 : i32
    %dma_wait3A_381 = arith.constant 0 : i32
    %dma_wait3A_382 = arith.constant 0 : i32
    %dma_wait3A_383 = tpu.memref_slice %arg2[%dma_wait3A_381, %min3A_380, %dma_wait3A_382] : memref<4x8191x1024xf32, #tpu.memory_space<hbm>> -> memref<1x512x1024xf32, #tpu.memory_space<hbm>>
    %dma_wait3A_384 = tpu.memref_squeeze %dma_wait3A_383 : memref<1x512x1024xf32, #tpu.memory_space<hbm>> -> memref<512x1024xf32, #tpu.memory_space<hbm>>
    tpu.wait_dma2 semaphore(%arg11 : memref<!tpu.dma_semaphore, #tpu.memory_space<semaphore_mem>>) src(%arg5 : memref<512x1024xf32, #tpu.memory_space<vmem_shared>>) dst(%dma_wait3A_384 : memref<512x1024xf32, #tpu.memory_space<hbm>>)
    %mul3A_385 = arith.constant 8 : i32
    %mul3A_386 = arith.muli %arg0, %mul3A_385 : i32
    %add3A_387 = arith.constant 2 : i32
    %add3A_388 = arith.addi %mul3A_386, %add3A_387 : i32
    %mul3A_389 = arith.constant 512 : i32
    %mul3A_390 = arith.muli %add3A_388, %mul3A_389 : i32
    %min3A_391 = arith.constant 7679 : i32
    %min3A_392 = arith.minsi %mul3A_390, %min3A_391 : i32
    %dma_wait3A_393 = arith.constant 1 : i32
    %dma_wait3A_394 = arith.constant 0 : i32
    %dma_wait3A_395 = tpu.memref_slice %arg2[%dma_wait3A_393, %min3A_392, %dma_wait3A_394] : memref<4x8191x1024xf32, #tpu.memory_space<hbm>> -> memref<1x512x1024xf32, #tpu.memory_space<hbm>>
    %dma_wait3A_396 = tpu.memref_squeeze %dma_wait3A_395 : memref<1x512x1024xf32, #tpu.memory_space<hbm>> -> memref<512x1024xf32, #tpu.memory_space<hbm>>
    tpu.wait_dma2 semaphore(%arg11 : memref<!tpu.dma_semaphore, #tpu.memory_space<semaphore_mem>>) src(%arg5 : memref<512x1024xf32, #tpu.memory_space<vmem_shared>>) dst(%dma_wait3A_396 : memref<512x1024xf32, #tpu.memory_space<hbm>>)
    %mul3A_397 = arith.constant 8 : i32
    %mul3A_398 = arith.muli %arg0, %mul3A_397 : i32
    %add3A_399 = arith.constant 2 : i32
    %add3A_400 = arith.addi %mul3A_398, %add3A_399 : i32
    %mul3A_401 = arith.constant 512 : i32
    %mul3A_402 = arith.muli %add3A_400, %mul3A_401 : i32
    %min3A_403 = arith.constant 7679 : i32
    %min3A_404 = arith.minsi %mul3A_402, %min3A_403 : i32
    %dma_wait3A_405 = arith.constant 2 : i32
    %dma_wait3A_406 = arith.constant 0 : i32
    %dma_wait3A_407 = tpu.memref_slice %arg2[%dma_wait3A_405, %min3A_404, %dma_wait3A_406] : memref<4x8191x1024xf32, #tpu.memory_space<hbm>> -> memref<1x512x1024xf32, #tpu.memory_space<hbm>>
    %dma_wait3A_408 = tpu.memref_squeeze %dma_wait3A_407 : memref<1x512x1024xf32, #tpu.memory_space<hbm>> -> memref<512x1024xf32, #tpu.memory_space<hbm>>
    tpu.wait_dma2 semaphore(%arg11 : memref<!tpu.dma_semaphore, #tpu.memory_space<semaphore_mem>>) src(%arg5 : memref<512x1024xf32, #tpu.memory_space<vmem_shared>>) dst(%dma_wait3A_408 : memref<512x1024xf32, #tpu.memory_space<hbm>>)
    %mul3A_409 = arith.constant 8 : i32
    %mul3A_410 = arith.muli %arg0, %mul3A_409 : i32
    %add3A_411 = arith.constant 2 : i32
    %add3A_412 = arith.addi %mul3A_410, %add3A_411 : i32
    %mul3A_413 = arith.constant 512 : i32
    %mul3A_414 = arith.muli %add3A_412, %mul3A_413 : i32
    %min3A_415 = arith.constant 7679 : i32
    %min3A_416 = arith.minsi %mul3A_414, %min3A_415 : i32
    %dma_wait3A_417 = arith.constant 3 : i32
    %dma_wait3A_418 = arith.constant 0 : i32
    %dma_wait3A_419 = tpu.memref_slice %arg2[%dma_wait3A_417, %min3A_416, %dma_wait3A_418] : memref<4x8191x1024xf32, #tpu.memory_space<hbm>> -> memref<1x512x1024xf32, #tpu.memory_space<hbm>>
    %dma_wait3A_420 = tpu.memref_squeeze %dma_wait3A_419 : memref<1x512x1024xf32, #tpu.memory_space<hbm>> -> memref<512x1024xf32, #tpu.memory_space<hbm>>
    tpu.wait_dma2 semaphore(%arg11 : memref<!tpu.dma_semaphore, #tpu.memory_space<semaphore_mem>>) src(%arg5 : memref<512x1024xf32, #tpu.memory_space<vmem_shared>>) dst(%dma_wait3A_420 : memref<512x1024xf32, #tpu.memory_space<hbm>>)
    %mul3A_421 = arith.constant 8 : i32
    %mul3A_422 = arith.muli %arg0, %mul3A_421 : i32
    %add3A_423 = arith.constant 5 : i32
    %add3A_424 = arith.addi %mul3A_422, %add3A_423 : i32
    %mul3A_425 = arith.constant 512 : i32
    %mul3A_426 = arith.muli %add3A_424, %mul3A_425 : i32
    %min3A_427 = arith.constant 7679 : i32
    %min3A_428 = arith.minsi %mul3A_426, %min3A_427 : i32
    %dma_start3A_429 = arith.constant 0 : i32
    %dma_start3A_430 = tpu.memref_slice %arg1[%min3A_428, %dma_start3A_429] : memref<10000x1024xf32, #tpu.memory_space<hbm>> -> memref<512x1024xf32, #tpu.memory_space<hbm>>
    tpu.enqueue_dma source(%dma_start3A_430 : memref<512x1024xf32, #tpu.memory_space<hbm>>) target(%arg5 : memref<512x1024xf32, #tpu.memory_space<vmem_shared>>) target_semaphore(%arg8 : memref<!tpu.dma_semaphore, #tpu.memory_space<semaphore_mem>>)
    %mul3A_431 = arith.constant 8 : i32
    %mul3A_432 = arith.muli %arg0, %mul3A_431 : i32
    %add3A_433 = arith.constant 4 : i32
    %add3A_434 = arith.addi %mul3A_432, %add3A_433 : i32
    %mul3A_435 = arith.constant 512 : i32
    %mul3A_436 = arith.muli %add3A_434, %mul3A_435 : i32
    %min3A_437 = arith.constant 7679 : i32
    %min3A_438 = arith.minsi %mul3A_436, %min3A_437 : i32
    %dma_wait3A_439 = arith.constant 0 : i32
    %dma_wait3A_440 = tpu.memref_slice %arg1[%min3A_438, %dma_wait3A_439] : memref<10000x1024xf32, #tpu.memory_space<hbm>> -> memref<512x1024xf32, #tpu.memory_space<hbm>>
    tpu.wait_dma2 semaphore(%arg7 : memref<!tpu.dma_semaphore, #tpu.memory_space<semaphore_mem>>) src(%dma_wait3A_440 : memref<512x1024xf32, #tpu.memory_space<hbm>>) dst(%arg4 : memref<512x1024xf32, #tpu.memory_space<vmem_shared>>)
    %mul3A_441 = arith.constant 8 : i32
    %mul3A_442 = arith.muli %arg0, %mul3A_441 : i32
    %add3A_443 = arith.constant 4 : i32
    %add3A_444 = arith.addi %mul3A_442, %add3A_443 : i32
    %mul3A_445 = arith.constant 512 : i32
    %mul3A_446 = arith.muli %add3A_444, %mul3A_445 : i32
    %min3A_447 = arith.constant 7679 : i32
    %min3A_448 = arith.minsi %mul3A_446, %min3A_447 : i32
    %dma_start3A_449 = arith.constant 0 : i32
    %dma_start3A_450 = arith.constant 0 : i32
    %dma_start3A_451 = tpu.memref_slice %arg2[%dma_start3A_449, %min3A_448, %dma_start3A_450] : memref<4x8191x1024xf32, #tpu.memory_space<hbm>> -> memref<1x512x1024xf32, #tpu.memory_space<hbm>>
    %dma_start3A_452 = tpu.memref_squeeze %dma_start3A_451 : memref<1x512x1024xf32, #tpu.memory_space<hbm>> -> memref<512x1024xf32, #tpu.memory_space<hbm>>
    tpu.enqueue_dma source(%arg4 : memref<512x1024xf32, #tpu.memory_space<vmem_shared>>) target(%dma_start3A_452 : memref<512x1024xf32, #tpu.memory_space<hbm>>) target_semaphore(%arg10 : memref<!tpu.dma_semaphore, #tpu.memory_space<semaphore_mem>>)
    %mul3A_453 = arith.constant 8 : i32
    %mul3A_454 = arith.muli %arg0, %mul3A_453 : i32
    %add3A_455 = arith.constant 4 : i32
    %add3A_456 = arith.addi %mul3A_454, %add3A_455 : i32
    %mul3A_457 = arith.constant 512 : i32
    %mul3A_458 = arith.muli %add3A_456, %mul3A_457 : i32
    %min3A_459 = arith.constant 7679 : i32
    %min3A_460 = arith.minsi %mul3A_458, %min3A_459 : i32
    %dma_start3A_461 = arith.constant 1 : i32
    %dma_start3A_462 = arith.constant 0 : i32
    %dma_start3A_463 = tpu.memref_slice %arg2[%dma_start3A_461, %min3A_460, %dma_start3A_462] : memref<4x8191x1024xf32, #tpu.memory_space<hbm>> -> memref<1x512x1024xf32, #tpu.memory_space<hbm>>
    %dma_start3A_464 = tpu.memref_squeeze %dma_start3A_463 : memref<1x512x1024xf32, #tpu.memory_space<hbm>> -> memref<512x1024xf32, #tpu.memory_space<hbm>>
    tpu.enqueue_dma source(%arg4 : memref<512x1024xf32, #tpu.memory_space<vmem_shared>>) target(%dma_start3A_464 : memref<512x1024xf32, #tpu.memory_space<hbm>>) target_semaphore(%arg10 : memref<!tpu.dma_semaphore, #tpu.memory_space<semaphore_mem>>)
    %mul3A_465 = arith.constant 8 : i32
    %mul3A_466 = arith.muli %arg0, %mul3A_465 : i32
    %add3A_467 = arith.constant 4 : i32
    %add3A_468 = arith.addi %mul3A_466, %add3A_467 : i32
    %mul3A_469 = arith.constant 512 : i32
    %mul3A_470 = arith.muli %add3A_468, %mul3A_469 : i32
    %min3A_471 = arith.constant 7679 : i32
    %min3A_472 = arith.minsi %mul3A_470, %min3A_471 : i32
    %dma_start3A_473 = arith.constant 2 : i32
    %dma_start3A_474 = arith.constant 0 : i32
    %dma_start3A_475 = tpu.memref_slice %arg2[%dma_start3A_473, %min3A_472, %dma_start3A_474] : memref<4x8191x1024xf32, #tpu.memory_space<hbm>> -> memref<1x512x1024xf32, #tpu.memory_space<hbm>>
    %dma_start3A_476 = tpu.memref_squeeze %dma_start3A_475 : memref<1x512x1024xf32, #tpu.memory_space<hbm>> -> memref<512x1024xf32, #tpu.memory_space<hbm>>
    tpu.enqueue_dma source(%arg4 : memref<512x1024xf32, #tpu.memory_space<vmem_shared>>) target(%dma_start3A_476 : memref<512x1024xf32, #tpu.memory_space<hbm>>) target_semaphore(%arg10 : memref<!tpu.dma_semaphore, #tpu.memory_space<semaphore_mem>>)
    %mul3A_477 = arith.constant 8 : i32
    %mul3A_478 = arith.muli %arg0, %mul3A_477 : i32
    %add3A_479 = arith.constant 4 : i32
    %add3A_480 = arith.addi %mul3A_478, %add3A_479 : i32
    %mul3A_481 = arith.constant 512 : i32
    %mul3A_482 = arith.muli %add3A_480, %mul3A_481 : i32
    %min3A_483 = arith.constant 7679 : i32
    %min3A_484 = arith.minsi %mul3A_482, %min3A_483 : i32
    %dma_start3A_485 = arith.constant 3 : i32
    %dma_start3A_486 = arith.constant 0 : i32
    %dma_start3A_487 = tpu.memref_slice %arg2[%dma_start3A_485, %min3A_484, %dma_start3A_486] : memref<4x8191x1024xf32, #tpu.memory_space<hbm>> -> memref<1x512x1024xf32, #tpu.memory_space<hbm>>
    %dma_start3A_488 = tpu.memref_squeeze %dma_start3A_487 : memref<1x512x1024xf32, #tpu.memory_space<hbm>> -> memref<512x1024xf32, #tpu.memory_space<hbm>>
    tpu.enqueue_dma source(%arg4 : memref<512x1024xf32, #tpu.memory_space<vmem_shared>>) target(%dma_start3A_488 : memref<512x1024xf32, #tpu.memory_space<hbm>>) target_semaphore(%arg10 : memref<!tpu.dma_semaphore, #tpu.memory_space<semaphore_mem>>)
    %mul3A_489 = arith.constant 8 : i32
    %mul3A_490 = arith.muli %arg0, %mul3A_489 : i32
    %add3A_491 = arith.constant 3 : i32
    %add3A_492 = arith.addi %mul3A_490, %add3A_491 : i32
    %mul3A_493 = arith.constant 512 : i32
    %mul3A_494 = arith.muli %add3A_492, %mul3A_493 : i32
    %min3A_495 = arith.constant 7679 : i32
    %min3A_496 = arith.minsi %mul3A_494, %min3A_495 : i32
    %dma_wait3A_497 = arith.constant 0 : i32
    %dma_wait3A_498 = arith.constant 0 : i32
    %dma_wait3A_499 = tpu.memref_slice %arg2[%dma_wait3A_497, %min3A_496, %dma_wait3A_498] : memref<4x8191x1024xf32, #tpu.memory_space<hbm>> -> memref<1x512x1024xf32, #tpu.memory_space<hbm>>
    %dma_wait3A_500 = tpu.memref_squeeze %dma_wait3A_499 : memref<1x512x1024xf32, #tpu.memory_space<hbm>> -> memref<512x1024xf32, #tpu.memory_space<hbm>>
    tpu.wait_dma2 semaphore(%arg9 : memref<!tpu.dma_semaphore, #tpu.memory_space<semaphore_mem>>) src(%arg3 : memref<512x1024xf32, #tpu.memory_space<vmem_shared>>) dst(%dma_wait3A_500 : memref<512x1024xf32, #tpu.memory_space<hbm>>)
    %mul3A_501 = arith.constant 8 : i32
    %mul3A_502 = arith.muli %arg0, %mul3A_501 : i32
    %add3A_503 = arith.constant 3 : i32
    %add3A_504 = arith.addi %mul3A_502, %add3A_503 : i32
    %mul3A_505 = arith.constant 512 : i32
    %mul3A_506 = arith.muli %add3A_504, %mul3A_505 : i32
    %min3A_507 = arith.constant 7679 : i32
    %min3A_508 = arith.minsi %mul3A_506, %min3A_507 : i32
    %dma_wait3A_509 = arith.constant 1 : i32
    %dma_wait3A_510 = arith.constant 0 : i32
    %dma_wait3A_511 = tpu.memref_slice %arg2[%dma_wait3A_509, %min3A_508, %dma_wait3A_510] : memref<4x8191x1024xf32, #tpu.memory_space<hbm>> -> memref<1x512x1024xf32, #tpu.memory_space<hbm>>
    %dma_wait3A_512 = tpu.memref_squeeze %dma_wait3A_511 : memref<1x512x1024xf32, #tpu.memory_space<hbm>> -> memref<512x1024xf32, #tpu.memory_space<hbm>>
    tpu.wait_dma2 semaphore(%arg9 : memref<!tpu.dma_semaphore, #tpu.memory_space<semaphore_mem>>) src(%arg3 : memref<512x1024xf32, #tpu.memory_space<vmem_shared>>) dst(%dma_wait3A_512 : memref<512x1024xf32, #tpu.memory_space<hbm>>)
    %mul3A_513 = arith.constant 8 : i32
    %mul3A_514 = arith.muli %arg0, %mul3A_513 : i32
    %add3A_515 = arith.constant 3 : i32
    %add3A_516 = arith.addi %mul3A_514, %add3A_515 : i32
    %mul3A_517 = arith.constant 512 : i32
    %mul3A_518 = arith.muli %add3A_516, %mul3A_517 : i32
    %min3A_519 = arith.constant 7679 : i32
    %min3A_520 = arith.minsi %mul3A_518, %min3A_519 : i32
    %dma_wait3A_521 = arith.constant 2 : i32
    %dma_wait3A_522 = arith.constant 0 : i32
    %dma_wait3A_523 = tpu.memref_slice %arg2[%dma_wait3A_521, %min3A_520, %dma_wait3A_522] : memref<4x8191x1024xf32, #tpu.memory_space<hbm>> -> memref<1x512x1024xf32, #tpu.memory_space<hbm>>
    %dma_wait3A_524 = tpu.memref_squeeze %dma_wait3A_523 : memref<1x512x1024xf32, #tpu.memory_space<hbm>> -> memref<512x1024xf32, #tpu.memory_space<hbm>>
    tpu.wait_dma2 semaphore(%arg9 : memref<!tpu.dma_semaphore, #tpu.memory_space<semaphore_mem>>) src(%arg3 : memref<512x1024xf32, #tpu.memory_space<vmem_shared>>) dst(%dma_wait3A_524 : memref<512x1024xf32, #tpu.memory_space<hbm>>)
    %mul3A_525 = arith.constant 8 : i32
    %mul3A_526 = arith.muli %arg0, %mul3A_525 : i32
    %add3A_527 = arith.constant 3 : i32
    %add3A_528 = arith.addi %mul3A_526, %add3A_527 : i32
    %mul3A_529 = arith.constant 512 : i32
    %mul3A_530 = arith.muli %add3A_528, %mul3A_529 : i32
    %min3A_531 = arith.constant 7679 : i32
    %min3A_532 = arith.minsi %mul3A_530, %min3A_531 : i32
    %dma_wait3A_533 = arith.constant 3 : i32
    %dma_wait3A_534 = arith.constant 0 : i32
    %dma_wait3A_535 = tpu.memref_slice %arg2[%dma_wait3A_533, %min3A_532, %dma_wait3A_534] : memref<4x8191x1024xf32, #tpu.memory_space<hbm>> -> memref<1x512x1024xf32, #tpu.memory_space<hbm>>
    %dma_wait3A_536 = tpu.memref_squeeze %dma_wait3A_535 : memref<1x512x1024xf32, #tpu.memory_space<hbm>> -> memref<512x1024xf32, #tpu.memory_space<hbm>>
    tpu.wait_dma2 semaphore(%arg9 : memref<!tpu.dma_semaphore, #tpu.memory_space<semaphore_mem>>) src(%arg3 : memref<512x1024xf32, #tpu.memory_space<vmem_shared>>) dst(%dma_wait3A_536 : memref<512x1024xf32, #tpu.memory_space<hbm>>)
    %mul3A_537 = arith.constant 8 : i32
    %mul3A_538 = arith.muli %arg0, %mul3A_537 : i32
    %add3A_539 = arith.constant 6 : i32
    %add3A_540 = arith.addi %mul3A_538, %add3A_539 : i32
    %mul3A_541 = arith.constant 512 : i32
    %mul3A_542 = arith.muli %add3A_540, %mul3A_541 : i32
    %min3A_543 = arith.constant 7679 : i32
    %min3A_544 = arith.minsi %mul3A_542, %min3A_543 : i32
    %dma_start3A_545 = arith.constant 0 : i32
    %dma_start3A_546 = tpu.memref_slice %arg1[%min3A_544, %dma_start3A_545] : memref<10000x1024xf32, #tpu.memory_space<hbm>> -> memref<512x1024xf32, #tpu.memory_space<hbm>>
    tpu.enqueue_dma source(%dma_start3A_546 : memref<512x1024xf32, #tpu.memory_space<hbm>>) target(%arg3 : memref<512x1024xf32, #tpu.memory_space<vmem_shared>>) target_semaphore(%arg6 : memref<!tpu.dma_semaphore, #tpu.memory_space<semaphore_mem>>)
    %mul3A_547 = arith.constant 8 : i32
    %mul3A_548 = arith.muli %arg0, %mul3A_547 : i32
    %add3A_549 = arith.constant 5 : i32
    %add3A_550 = arith.addi %mul3A_548, %add3A_549 : i32
    %mul3A_551 = arith.constant 512 : i32
    %mul3A_552 = arith.muli %add3A_550, %mul3A_551 : i32
    %min3A_553 = arith.constant 7679 : i32
    %min3A_554 = arith.minsi %mul3A_552, %min3A_553 : i32
    %dma_wait3A_555 = arith.constant 0 : i32
    %dma_wait3A_556 = tpu.memref_slice %arg1[%min3A_554, %dma_wait3A_555] : memref<10000x1024xf32, #tpu.memory_space<hbm>> -> memref<512x1024xf32, #tpu.memory_space<hbm>>
    tpu.wait_dma2 semaphore(%arg8 : memref<!tpu.dma_semaphore, #tpu.memory_space<semaphore_mem>>) src(%dma_wait3A_556 : memref<512x1024xf32, #tpu.memory_space<hbm>>) dst(%arg5 : memref<512x1024xf32, #tpu.memory_space<vmem_shared>>)
    %mul3A_557 = arith.constant 8 : i32
    %mul3A_558 = arith.muli %arg0, %mul3A_557 : i32
    %add3A_559 = arith.constant 5 : i32
    %add3A_560 = arith.addi %mul3A_558, %add3A_559 : i32
    %mul3A_561 = arith.constant 512 : i32
    %mul3A_562 = arith.muli %add3A_560, %mul3A_561 : i32
    %min3A_563 = arith.constant 7679 : i32
    %min3A_564 = arith.minsi %mul3A_562, %min3A_563 : i32
    %dma_start3A_565 = arith.constant 0 : i32
    %dma_start3A_566 = arith.constant 0 : i32
    %dma_start3A_567 = tpu.memref_slice %arg2[%dma_start3A_565, %min3A_564, %dma_start3A_566] : memref<4x8191x1024xf32, #tpu.memory_space<hbm>> -> memref<1x512x1024xf32, #tpu.memory_space<hbm>>
    %dma_start3A_568 = tpu.memref_squeeze %dma_start3A_567 : memref<1x512x1024xf32, #tpu.memory_space<hbm>> -> memref<512x1024xf32, #tpu.memory_space<hbm>>
    tpu.enqueue_dma source(%arg5 : memref<512x1024xf32, #tpu.memory_space<vmem_shared>>) target(%dma_start3A_568 : memref<512x1024xf32, #tpu.memory_space<hbm>>) target_semaphore(%arg11 : memref<!tpu.dma_semaphore, #tpu.memory_space<semaphore_mem>>)
    %mul3A_569 = arith.constant 8 : i32
    %mul3A_570 = arith.muli %arg0, %mul3A_569 : i32
    %add3A_571 = arith.constant 5 : i32
    %add3A_572 = arith.addi %mul3A_570, %add3A_571 : i32
    %mul3A_573 = arith.constant 512 : i32
    %mul3A_574 = arith.muli %add3A_572, %mul3A_573 : i32
    %min3A_575 = arith.constant 7679 : i32
    %min3A_576 = arith.minsi %mul3A_574, %min3A_575 : i32
    %dma_start3A_577 = arith.constant 1 : i32
    %dma_start3A_578 = arith.constant 0 : i32
    %dma_start3A_579 = tpu.memref_slice %arg2[%dma_start3A_577, %min3A_576, %dma_start3A_578] : memref<4x8191x1024xf32, #tpu.memory_space<hbm>> -> memref<1x512x1024xf32, #tpu.memory_space<hbm>>
    %dma_start3A_580 = tpu.memref_squeeze %dma_start3A_579 : memref<1x512x1024xf32, #tpu.memory_space<hbm>> -> memref<512x1024xf32, #tpu.memory_space<hbm>>
    tpu.enqueue_dma source(%arg5 : memref<512x1024xf32, #tpu.memory_space<vmem_shared>>) target(%dma_start3A_580 : memref<512x1024xf32, #tpu.memory_space<hbm>>) target_semaphore(%arg11 : memref<!tpu.dma_semaphore, #tpu.memory_space<semaphore_mem>>)
    %mul3A_581 = arith.constant 8 : i32
    %mul3A_582 = arith.muli %arg0, %mul3A_581 : i32
    %add3A_583 = arith.constant 5 : i32
    %add3A_584 = arith.addi %mul3A_582, %add3A_583 : i32
    %mul3A_585 = arith.constant 512 : i32
    %mul3A_586 = arith.muli %add3A_584, %mul3A_585 : i32
    %min3A_587 = arith.constant 7679 : i32
    %min3A_588 = arith.minsi %mul3A_586, %min3A_587 : i32
    %dma_start3A_589 = arith.constant 2 : i32
    %dma_start3A_590 = arith.constant 0 : i32
    %dma_start3A_591 = tpu.memref_slice %arg2[%dma_start3A_589, %min3A_588, %dma_start3A_590] : memref<4x8191x1024xf32, #tpu.memory_space<hbm>> -> memref<1x512x1024xf32, #tpu.memory_space<hbm>>
    %dma_start3A_592 = tpu.memref_squeeze %dma_start3A_591 : memref<1x512x1024xf32, #tpu.memory_space<hbm>> -> memref<512x1024xf32, #tpu.memory_space<hbm>>
    tpu.enqueue_dma source(%arg5 : memref<512x1024xf32, #tpu.memory_space<vmem_shared>>) target(%dma_start3A_592 : memref<512x1024xf32, #tpu.memory_space<hbm>>) target_semaphore(%arg11 : memref<!tpu.dma_semaphore, #tpu.memory_space<semaphore_mem>>)
    %mul3A_593 = arith.constant 8 : i32
    %mul3A_594 = arith.muli %arg0, %mul3A_593 : i32
    %add3A_595 = arith.constant 5 : i32
    %add3A_596 = arith.addi %mul3A_594, %add3A_595 : i32
    %mul3A_597 = arith.constant 512 : i32
    %mul3A_598 = arith.muli %add3A_596, %mul3A_597 : i32
    %min3A_599 = arith.constant 7679 : i32
    %min3A_600 = arith.minsi %mul3A_598, %min3A_599 : i32
    %dma_start3A_601 = arith.constant 3 : i32
    %dma_start3A_602 = arith.constant 0 : i32
    %dma_start3A_603 = tpu.memref_slice %arg2[%dma_start3A_601, %min3A_600, %dma_start3A_602] : memref<4x8191x1024xf32, #tpu.memory_space<hbm>> -> memref<1x512x1024xf32, #tpu.memory_space<hbm>>
    %dma_start3A_604 = tpu.memref_squeeze %dma_start3A_603 : memref<1x512x1024xf32, #tpu.memory_space<hbm>> -> memref<512x1024xf32, #tpu.memory_space<hbm>>
    tpu.enqueue_dma source(%arg5 : memref<512x1024xf32, #tpu.memory_space<vmem_shared>>) target(%dma_start3A_604 : memref<512x1024xf32, #tpu.memory_space<hbm>>) target_semaphore(%arg11 : memref<!tpu.dma_semaphore, #tpu.memory_space<semaphore_mem>>)
    %mul3A_605 = arith.constant 8 : i32
    %mul3A_606 = arith.muli %arg0, %mul3A_605 : i32
    %add3A_607 = arith.constant 4 : i32
    %add3A_608 = arith.addi %mul3A_606, %add3A_607 : i32
    %mul3A_609 = arith.constant 512 : i32
    %mul3A_610 = arith.muli %add3A_608, %mul3A_609 : i32
    %min3A_611 = arith.constant 7679 : i32
    %min3A_612 = arith.minsi %mul3A_610, %min3A_611 : i32
    %dma_wait3A_613 = arith.constant 0 : i32
    %dma_wait3A_614 = arith.constant 0 : i32
    %dma_wait3A_615 = tpu.memref_slice %arg2[%dma_wait3A_613, %min3A_612, %dma_wait3A_614] : memref<4x8191x1024xf32, #tpu.memory_space<hbm>> -> memref<1x512x1024xf32, #tpu.memory_space<hbm>>
    %dma_wait3A_616 = tpu.memref_squeeze %dma_wait3A_615 : memref<1x512x1024xf32, #tpu.memory_space<hbm>> -> memref<512x1024xf32, #tpu.memory_space<hbm>>
    tpu.wait_dma2 semaphore(%arg10 : memref<!tpu.dma_semaphore, #tpu.memory_space<semaphore_mem>>) src(%arg4 : memref<512x1024xf32, #tpu.memory_space<vmem_shared>>) dst(%dma_wait3A_616 : memref<512x1024xf32, #tpu.memory_space<hbm>>)
    %mul3A_617 = arith.constant 8 : i32
    %mul3A_618 = arith.muli %arg0, %mul3A_617 : i32
    %add3A_619 = arith.constant 4 : i32
    %add3A_620 = arith.addi %mul3A_618, %add3A_619 : i32
    %mul3A_621 = arith.constant 512 : i32
    %mul3A_622 = arith.muli %add3A_620, %mul3A_621 : i32
    %min3A_623 = arith.constant 7679 : i32
    %min3A_624 = arith.minsi %mul3A_622, %min3A_623 : i32
    %dma_wait3A_625 = arith.constant 1 : i32
    %dma_wait3A_626 = arith.constant 0 : i32
    %dma_wait3A_627 = tpu.memref_slice %arg2[%dma_wait3A_625, %min3A_624, %dma_wait3A_626] : memref<4x8191x1024xf32, #tpu.memory_space<hbm>> -> memref<1x512x1024xf32, #tpu.memory_space<hbm>>
    %dma_wait3A_628 = tpu.memref_squeeze %dma_wait3A_627 : memref<1x512x1024xf32, #tpu.memory_space<hbm>> -> memref<512x1024xf32, #tpu.memory_space<hbm>>
    tpu.wait_dma2 semaphore(%arg10 : memref<!tpu.dma_semaphore, #tpu.memory_space<semaphore_mem>>) src(%arg4 : memref<512x1024xf32, #tpu.memory_space<vmem_shared>>) dst(%dma_wait3A_628 : memref<512x1024xf32, #tpu.memory_space<hbm>>)
    %mul3A_629 = arith.constant 8 : i32
    %mul3A_630 = arith.muli %arg0, %mul3A_629 : i32
    %add3A_631 = arith.constant 4 : i32
    %add3A_632 = arith.addi %mul3A_630, %add3A_631 : i32
    %mul3A_633 = arith.constant 512 : i32
    %mul3A_634 = arith.muli %add3A_632, %mul3A_633 : i32
    %min3A_635 = arith.constant 7679 : i32
    %min3A_636 = arith.minsi %mul3A_634, %min3A_635 : i32
    %dma_wait3A_637 = arith.constant 2 : i32
    %dma_wait3A_638 = arith.constant 0 : i32
    %dma_wait3A_639 = tpu.memref_slice %arg2[%dma_wait3A_637, %min3A_636, %dma_wait3A_638] : memref<4x8191x1024xf32, #tpu.memory_space<hbm>> -> memref<1x512x1024xf32, #tpu.memory_space<hbm>>
    %dma_wait3A_640 = tpu.memref_squeeze %dma_wait3A_639 : memref<1x512x1024xf32, #tpu.memory_space<hbm>> -> memref<512x1024xf32, #tpu.memory_space<hbm>>
    tpu.wait_dma2 semaphore(%arg10 : memref<!tpu.dma_semaphore, #tpu.memory_space<semaphore_mem>>) src(%arg4 : memref<512x1024xf32, #tpu.memory_space<vmem_shared>>) dst(%dma_wait3A_640 : memref<512x1024xf32, #tpu.memory_space<hbm>>)
    %mul3A_641 = arith.constant 8 : i32
    %mul3A_642 = arith.muli %arg0, %mul3A_641 : i32
    %add3A_643 = arith.constant 4 : i32
    %add3A_644 = arith.addi %mul3A_642, %add3A_643 : i32
    %mul3A_645 = arith.constant 512 : i32
    %mul3A_646 = arith.muli %add3A_644, %mul3A_645 : i32
    %min3A_647 = arith.constant 7679 : i32
    %min3A_648 = arith.minsi %mul3A_646, %min3A_647 : i32
    %dma_wait3A_649 = arith.constant 3 : i32
    %dma_wait3A_650 = arith.constant 0 : i32
    %dma_wait3A_651 = tpu.memref_slice %arg2[%dma_wait3A_649, %min3A_648, %dma_wait3A_650] : memref<4x8191x1024xf32, #tpu.memory_space<hbm>> -> memref<1x512x1024xf32, #tpu.memory_space<hbm>>
    %dma_wait3A_652 = tpu.memref_squeeze %dma_wait3A_651 : memref<1x512x1024xf32, #tpu.memory_space<hbm>> -> memref<512x1024xf32, #tpu.memory_space<hbm>>
    tpu.wait_dma2 semaphore(%arg10 : memref<!tpu.dma_semaphore, #tpu.memory_space<semaphore_mem>>) src(%arg4 : memref<512x1024xf32, #tpu.memory_space<vmem_shared>>) dst(%dma_wait3A_652 : memref<512x1024xf32, #tpu.memory_space<hbm>>)
    %mul3A_653 = arith.constant 8 : i32
    %mul3A_654 = arith.muli %arg0, %mul3A_653 : i32
    %add3A_655 = arith.constant 7 : i32
    %add3A_656 = arith.addi %mul3A_654, %add3A_655 : i32
    %mul3A_657 = arith.constant 512 : i32
    %mul3A_658 = arith.muli %add3A_656, %mul3A_657 : i32
    %min3A_659 = arith.constant 7679 : i32
    %min3A_660 = arith.minsi %mul3A_658, %min3A_659 : i32
    %dma_start3A_661 = arith.constant 0 : i32
    %dma_start3A_662 = tpu.memref_slice %arg1[%min3A_660, %dma_start3A_661] : memref<10000x1024xf32, #tpu.memory_space<hbm>> -> memref<512x1024xf32, #tpu.memory_space<hbm>>
    tpu.enqueue_dma source(%dma_start3A_662 : memref<512x1024xf32, #tpu.memory_space<hbm>>) target(%arg4 : memref<512x1024xf32, #tpu.memory_space<vmem_shared>>) target_semaphore(%arg7 : memref<!tpu.dma_semaphore, #tpu.memory_space<semaphore_mem>>)
    %mul3A_663 = arith.constant 8 : i32
    %mul3A_664 = arith.muli %arg0, %mul3A_663 : i32
    %add3A_665 = arith.constant 6 : i32
    %add3A_666 = arith.addi %mul3A_664, %add3A_665 : i32
    %mul3A_667 = arith.constant 512 : i32
    %mul3A_668 = arith.muli %add3A_666, %mul3A_667 : i32
    %min3A_669 = arith.constant 7679 : i32
    %min3A_670 = arith.minsi %mul3A_668, %min3A_669 : i32
    %dma_wait3A_671 = arith.constant 0 : i32
    %dma_wait3A_672 = tpu.memref_slice %arg1[%min3A_670, %dma_wait3A_671] : memref<10000x1024xf32, #tpu.memory_space<hbm>> -> memref<512x1024xf32, #tpu.memory_space<hbm>>
    tpu.wait_dma2 semaphore(%arg6 : memref<!tpu.dma_semaphore, #tpu.memory_space<semaphore_mem>>) src(%dma_wait3A_672 : memref<512x1024xf32, #tpu.memory_space<hbm>>) dst(%arg3 : memref<512x1024xf32, #tpu.memory_space<vmem_shared>>)
    %mul3A_673 = arith.constant 8 : i32
    %mul3A_674 = arith.muli %arg0, %mul3A_673 : i32
    %add3A_675 = arith.constant 6 : i32
    %add3A_676 = arith.addi %mul3A_674, %add3A_675 : i32
    %mul3A_677 = arith.constant 512 : i32
    %mul3A_678 = arith.muli %add3A_676, %mul3A_677 : i32
    %min3A_679 = arith.constant 7679 : i32
    %min3A_680 = arith.minsi %mul3A_678, %min3A_679 : i32
    %dma_start3A_681 = arith.constant 0 : i32
    %dma_start3A_682 = arith.constant 0 : i32
    %dma_start3A_683 = tpu.memref_slice %arg2[%dma_start3A_681, %min3A_680, %dma_start3A_682] : memref<4x8191x1024xf32, #tpu.memory_space<hbm>> -> memref<1x512x1024xf32, #tpu.memory_space<hbm>>
    %dma_start3A_684 = tpu.memref_squeeze %dma_start3A_683 : memref<1x512x1024xf32, #tpu.memory_space<hbm>> -> memref<512x1024xf32, #tpu.memory_space<hbm>>
    tpu.enqueue_dma source(%arg3 : memref<512x1024xf32, #tpu.memory_space<vmem_shared>>) target(%dma_start3A_684 : memref<512x1024xf32, #tpu.memory_space<hbm>>) target_semaphore(%arg9 : memref<!tpu.dma_semaphore, #tpu.memory_space<semaphore_mem>>)
    %mul3A_685 = arith.constant 8 : i32
    %mul3A_686 = arith.muli %arg0, %mul3A_685 : i32
    %add3A_687 = arith.constant 6 : i32
    %add3A_688 = arith.addi %mul3A_686, %add3A_687 : i32
    %mul3A_689 = arith.constant 512 : i32
    %mul3A_690 = arith.muli %add3A_688, %mul3A_689 : i32
    %min3A_691 = arith.constant 7679 : i32
    %min3A_692 = arith.minsi %mul3A_690, %min3A_691 : i32
    %dma_start3A_693 = arith.constant 1 : i32
    %dma_start3A_694 = arith.constant 0 : i32
    %dma_start3A_695 = tpu.memref_slice %arg2[%dma_start3A_693, %min3A_692, %dma_start3A_694] : memref<4x8191x1024xf32, #tpu.memory_space<hbm>> -> memref<1x512x1024xf32, #tpu.memory_space<hbm>>
    %dma_start3A_696 = tpu.memref_squeeze %dma_start3A_695 : memref<1x512x1024xf32, #tpu.memory_space<hbm>> -> memref<512x1024xf32, #tpu.memory_space<hbm>>
    tpu.enqueue_dma source(%arg3 : memref<512x1024xf32, #tpu.memory_space<vmem_shared>>) target(%dma_start3A_696 : memref<512x1024xf32, #tpu.memory_space<hbm>>) target_semaphore(%arg9 : memref<!tpu.dma_semaphore, #tpu.memory_space<semaphore_mem>>)
    %mul3A_697 = arith.constant 8 : i32
    %mul3A_698 = arith.muli %arg0, %mul3A_697 : i32
    %add3A_699 = arith.constant 6 : i32
    %add3A_700 = arith.addi %mul3A_698, %add3A_699 : i32
    %mul3A_701 = arith.constant 512 : i32
    %mul3A_702 = arith.muli %add3A_700, %mul3A_701 : i32
    %min3A_703 = arith.constant 7679 : i32
    %min3A_704 = arith.minsi %mul3A_702, %min3A_703 : i32
    %dma_start3A_705 = arith.constant 2 : i32
    %dma_start3A_706 = arith.constant 0 : i32
    %dma_start3A_707 = tpu.memref_slice %arg2[%dma_start3A_705, %min3A_704, %dma_start3A_706] : memref<4x8191x1024xf32, #tpu.memory_space<hbm>> -> memref<1x512x1024xf32, #tpu.memory_space<hbm>>
    %dma_start3A_708 = tpu.memref_squeeze %dma_start3A_707 : memref<1x512x1024xf32, #tpu.memory_space<hbm>> -> memref<512x1024xf32, #tpu.memory_space<hbm>>
    tpu.enqueue_dma source(%arg3 : memref<512x1024xf32, #tpu.memory_space<vmem_shared>>) target(%dma_start3A_708 : memref<512x1024xf32, #tpu.memory_space<hbm>>) target_semaphore(%arg9 : memref<!tpu.dma_semaphore, #tpu.memory_space<semaphore_mem>>)
    %mul3A_709 = arith.constant 8 : i32
    %mul3A_710 = arith.muli %arg0, %mul3A_709 : i32
    %add3A_711 = arith.constant 6 : i32
    %add3A_712 = arith.addi %mul3A_710, %add3A_711 : i32
    %mul3A_713 = arith.constant 512 : i32
    %mul3A_714 = arith.muli %add3A_712, %mul3A_713 : i32
    %min3A_715 = arith.constant 7679 : i32
    %min3A_716 = arith.minsi %mul3A_714, %min3A_715 : i32
    %dma_start3A_717 = arith.constant 3 : i32
    %dma_start3A_718 = arith.constant 0 : i32
    %dma_start3A_719 = tpu.memref_slice %arg2[%dma_start3A_717, %min3A_716, %dma_start3A_718] : memref<4x8191x1024xf32, #tpu.memory_space<hbm>> -> memref<1x512x1024xf32, #tpu.memory_space<hbm>>
    %dma_start3A_720 = tpu.memref_squeeze %dma_start3A_719 : memref<1x512x1024xf32, #tpu.memory_space<hbm>> -> memref<512x1024xf32, #tpu.memory_space<hbm>>
    tpu.enqueue_dma source(%arg3 : memref<512x1024xf32, #tpu.memory_space<vmem_shared>>) target(%dma_start3A_720 : memref<512x1024xf32, #tpu.memory_space<hbm>>) target_semaphore(%arg9 : memref<!tpu.dma_semaphore, #tpu.memory_space<semaphore_mem>>)
    %mul3A_721 = arith.constant 8 : i32
    %mul3A_722 = arith.muli %arg0, %mul3A_721 : i32
    %add3A_723 = arith.constant 5 : i32
    %add3A_724 = arith.addi %mul3A_722, %add3A_723 : i32
    %mul3A_725 = arith.constant 512 : i32
    %mul3A_726 = arith.muli %add3A_724, %mul3A_725 : i32
    %min3A_727 = arith.constant 7679 : i32
    %min3A_728 = arith.minsi %mul3A_726, %min3A_727 : i32
    %dma_wait3A_729 = arith.constant 0 : i32
    %dma_wait3A_730 = arith.constant 0 : i32
    %dma_wait3A_731 = tpu.memref_slice %arg2[%dma_wait3A_729, %min3A_728, %dma_wait3A_730] : memref<4x8191x1024xf32, #tpu.memory_space<hbm>> -> memref<1x512x1024xf32, #tpu.memory_space<hbm>>
    %dma_wait3A_732 = tpu.memref_squeeze %dma_wait3A_731 : memref<1x512x1024xf32, #tpu.memory_space<hbm>> -> memref<512x1024xf32, #tpu.memory_space<hbm>>
    tpu.wait_dma2 semaphore(%arg11 : memref<!tpu.dma_semaphore, #tpu.memory_space<semaphore_mem>>) src(%arg5 : memref<512x1024xf32, #tpu.memory_space<vmem_shared>>) dst(%dma_wait3A_732 : memref<512x1024xf32, #tpu.memory_space<hbm>>)
    %mul3A_733 = arith.constant 8 : i32
    %mul3A_734 = arith.muli %arg0, %mul3A_733 : i32
    %add3A_735 = arith.constant 5 : i32
    %add3A_736 = arith.addi %mul3A_734, %add3A_735 : i32
    %mul3A_737 = arith.constant 512 : i32
    %mul3A_738 = arith.muli %add3A_736, %mul3A_737 : i32
    %min3A_739 = arith.constant 7679 : i32
    %min3A_740 = arith.minsi %mul3A_738, %min3A_739 : i32
    %dma_wait3A_741 = arith.constant 1 : i32
    %dma_wait3A_742 = arith.constant 0 : i32
    %dma_wait3A_743 = tpu.memref_slice %arg2[%dma_wait3A_741, %min3A_740, %dma_wait3A_742] : memref<4x8191x1024xf32, #tpu.memory_space<hbm>> -> memref<1x512x1024xf32, #tpu.memory_space<hbm>>
    %dma_wait3A_744 = tpu.memref_squeeze %dma_wait3A_743 : memref<1x512x1024xf32, #tpu.memory_space<hbm>> -> memref<512x1024xf32, #tpu.memory_space<hbm>>
    tpu.wait_dma2 semaphore(%arg11 : memref<!tpu.dma_semaphore, #tpu.memory_space<semaphore_mem>>) src(%arg5 : memref<512x1024xf32, #tpu.memory_space<vmem_shared>>) dst(%dma_wait3A_744 : memref<512x1024xf32, #tpu.memory_space<hbm>>)
    %mul3A_745 = arith.constant 8 : i32
    %mul3A_746 = arith.muli %arg0, %mul3A_745 : i32
    %add3A_747 = arith.constant 5 : i32
    %add3A_748 = arith.addi %mul3A_746, %add3A_747 : i32
    %mul3A_749 = arith.constant 512 : i32
    %mul3A_750 = arith.muli %add3A_748, %mul3A_749 : i32
    %min3A_751 = arith.constant 7679 : i32
    %min3A_752 = arith.minsi %mul3A_750, %min3A_751 : i32
    %dma_wait3A_753 = arith.constant 2 : i32
    %dma_wait3A_754 = arith.constant 0 : i32
    %dma_wait3A_755 = tpu.memref_slice %arg2[%dma_wait3A_753, %min3A_752, %dma_wait3A_754] : memref<4x8191x1024xf32, #tpu.memory_space<hbm>> -> memref<1x512x1024xf32, #tpu.memory_space<hbm>>
    %dma_wait3A_756 = tpu.memref_squeeze %dma_wait3A_755 : memref<1x512x1024xf32, #tpu.memory_space<hbm>> -> memref<512x1024xf32, #tpu.memory_space<hbm>>
    tpu.wait_dma2 semaphore(%arg11 : memref<!tpu.dma_semaphore, #tpu.memory_space<semaphore_mem>>) src(%arg5 : memref<512x1024xf32, #tpu.memory_space<vmem_shared>>) dst(%dma_wait3A_756 : memref<512x1024xf32, #tpu.memory_space<hbm>>)
    %mul3A_757 = arith.constant 8 : i32
    %mul3A_758 = arith.muli %arg0, %mul3A_757 : i32
    %add3A_759 = arith.constant 5 : i32
    %add3A_760 = arith.addi %mul3A_758, %add3A_759 : i32
    %mul3A_761 = arith.constant 512 : i32
    %mul3A_762 = arith.muli %add3A_760, %mul3A_761 : i32
    %min3A_763 = arith.constant 7679 : i32
    %min3A_764 = arith.minsi %mul3A_762, %min3A_763 : i32
    %dma_wait3A_765 = arith.constant 3 : i32
    %dma_wait3A_766 = arith.constant 0 : i32
    %dma_wait3A_767 = tpu.memref_slice %arg2[%dma_wait3A_765, %min3A_764, %dma_wait3A_766] : memref<4x8191x1024xf32, #tpu.memory_space<hbm>> -> memref<1x512x1024xf32, #tpu.memory_space<hbm>>
    %dma_wait3A_768 = tpu.memref_squeeze %dma_wait3A_767 : memref<1x512x1024xf32, #tpu.memory_space<hbm>> -> memref<512x1024xf32, #tpu.memory_space<hbm>>
    tpu.wait_dma2 semaphore(%arg11 : memref<!tpu.dma_semaphore, #tpu.memory_space<semaphore_mem>>) src(%arg5 : memref<512x1024xf32, #tpu.memory_space<vmem_shared>>) dst(%dma_wait3A_768 : memref<512x1024xf32, #tpu.memory_space<hbm>>)
    %mul3A_769 = arith.constant 8 : i32
    %mul3A_770 = arith.muli %arg0, %mul3A_769 : i32
    %add3A_771 = arith.constant 7 : i32
    %add3A_772 = arith.addi %mul3A_770, %add3A_771 : i32
    %mul3A_773 = arith.constant 512 : i32
    %mul3A_774 = arith.muli %add3A_772, %mul3A_773 : i32
    %min3A_775 = arith.constant 7679 : i32
    %min3A_776 = arith.minsi %mul3A_774, %min3A_775 : i32
    %dma_wait3A_777 = arith.constant 0 : i32
    %dma_wait3A_778 = tpu.memref_slice %arg1[%min3A_776, %dma_wait3A_777] : memref<10000x1024xf32, #tpu.memory_space<hbm>> -> memref<512x1024xf32, #tpu.memory_space<hbm>>
    tpu.wait_dma2 semaphore(%arg7 : memref<!tpu.dma_semaphore, #tpu.memory_space<semaphore_mem>>) src(%dma_wait3A_778 : memref<512x1024xf32, #tpu.memory_space<hbm>>) dst(%arg4 : memref<512x1024xf32, #tpu.memory_space<vmem_shared>>)
    %mul3A_779 = arith.constant 8 : i32
    %mul3A_780 = arith.muli %arg0, %mul3A_779 : i32
    %add3A_781 = arith.constant 7 : i32
    %add3A_782 = arith.addi %mul3A_780, %add3A_781 : i32
    %mul3A_783 = arith.constant 512 : i32
    %mul3A_784 = arith.muli %add3A_782, %mul3A_783 : i32
    %min3A_785 = arith.constant 7679 : i32
    %min3A_786 = arith.minsi %mul3A_784, %min3A_785 : i32
    %dma_start3A_787 = arith.constant 0 : i32
    %dma_start3A_788 = arith.constant 0 : i32
    %dma_start3A_789 = tpu.memref_slice %arg2[%dma_start3A_787, %min3A_786, %dma_start3A_788] : memref<4x8191x1024xf32, #tpu.memory_space<hbm>> -> memref<1x512x1024xf32, #tpu.memory_space<hbm>>
    %dma_start3A_790 = tpu.memref_squeeze %dma_start3A_789 : memref<1x512x1024xf32, #tpu.memory_space<hbm>> -> memref<512x1024xf32, #tpu.memory_space<hbm>>
    tpu.enqueue_dma source(%arg4 : memref<512x1024xf32, #tpu.memory_space<vmem_shared>>) target(%dma_start3A_790 : memref<512x1024xf32, #tpu.memory_space<hbm>>) target_semaphore(%arg10 : memref<!tpu.dma_semaphore, #tpu.memory_space<semaphore_mem>>)
    %mul3A_791 = arith.constant 8 : i32
    %mul3A_792 = arith.muli %arg0, %mul3A_791 : i32
    %add3A_793 = arith.constant 7 : i32
    %add3A_794 = arith.addi %mul3A_792, %add3A_793 : i32
    %mul3A_795 = arith.constant 512 : i32
    %mul3A_796 = arith.muli %add3A_794, %mul3A_795 : i32
    %min3A_797 = arith.constant 7679 : i32
    %min3A_798 = arith.minsi %mul3A_796, %min3A_797 : i32
    %dma_start3A_799 = arith.constant 1 : i32
    %dma_start3A_800 = arith.constant 0 : i32
    %dma_start3A_801 = tpu.memref_slice %arg2[%dma_start3A_799, %min3A_798, %dma_start3A_800] : memref<4x8191x1024xf32, #tpu.memory_space<hbm>> -> memref<1x512x1024xf32, #tpu.memory_space<hbm>>
    %dma_start3A_802 = tpu.memref_squeeze %dma_start3A_801 : memref<1x512x1024xf32, #tpu.memory_space<hbm>> -> memref<512x1024xf32, #tpu.memory_space<hbm>>
    tpu.enqueue_dma source(%arg4 : memref<512x1024xf32, #tpu.memory_space<vmem_shared>>) target(%dma_start3A_802 : memref<512x1024xf32, #tpu.memory_space<hbm>>) target_semaphore(%arg10 : memref<!tpu.dma_semaphore, #tpu.memory_space<semaphore_mem>>)
    %mul3A_803 = arith.constant 8 : i32
    %mul3A_804 = arith.muli %arg0, %mul3A_803 : i32
    %add3A_805 = arith.constant 7 : i32
    %add3A_806 = arith.addi %mul3A_804, %add3A_805 : i32
    %mul3A_807 = arith.constant 512 : i32
    %mul3A_808 = arith.muli %add3A_806, %mul3A_807 : i32
    %min3A_809 = arith.constant 7679 : i32
    %min3A_810 = arith.minsi %mul3A_808, %min3A_809 : i32
    %dma_start3A_811 = arith.constant 2 : i32
    %dma_start3A_812 = arith.constant 0 : i32
    %dma_start3A_813 = tpu.memref_slice %arg2[%dma_start3A_811, %min3A_810, %dma_start3A_812] : memref<4x8191x1024xf32, #tpu.memory_space<hbm>> -> memref<1x512x1024xf32, #tpu.memory_space<hbm>>
    %dma_start3A_814 = tpu.memref_squeeze %dma_start3A_813 : memref<1x512x1024xf32, #tpu.memory_space<hbm>> -> memref<512x1024xf32, #tpu.memory_space<hbm>>
    tpu.enqueue_dma source(%arg4 : memref<512x1024xf32, #tpu.memory_space<vmem_shared>>) target(%dma_start3A_814 : memref<512x1024xf32, #tpu.memory_space<hbm>>) target_semaphore(%arg10 : memref<!tpu.dma_semaphore, #tpu.memory_space<semaphore_mem>>)
    %mul3A_815 = arith.constant 8 : i32
    %mul3A_816 = arith.muli %arg0, %mul3A_815 : i32
    %add3A_817 = arith.constant 7 : i32
    %add3A_818 = arith.addi %mul3A_816, %add3A_817 : i32
    %mul3A_819 = arith.constant 512 : i32
    %mul3A_820 = arith.muli %add3A_818, %mul3A_819 : i32
    %min3A_821 = arith.constant 7679 : i32
    %min3A_822 = arith.minsi %mul3A_820, %min3A_821 : i32
    %dma_start3A_823 = arith.constant 3 : i32
    %dma_start3A_824 = arith.constant 0 : i32
    %dma_start3A_825 = tpu.memref_slice %arg2[%dma_start3A_823, %min3A_822, %dma_start3A_824] : memref<4x8191x1024xf32, #tpu.memory_space<hbm>> -> memref<1x512x1024xf32, #tpu.memory_space<hbm>>
    %dma_start3A_826 = tpu.memref_squeeze %dma_start3A_825 : memref<1x512x1024xf32, #tpu.memory_space<hbm>> -> memref<512x1024xf32, #tpu.memory_space<hbm>>
    tpu.enqueue_dma source(%arg4 : memref<512x1024xf32, #tpu.memory_space<vmem_shared>>) target(%dma_start3A_826 : memref<512x1024xf32, #tpu.memory_space<hbm>>) target_semaphore(%arg10 : memref<!tpu.dma_semaphore, #tpu.memory_space<semaphore_mem>>)
    %mul3A_827 = arith.constant 8 : i32
    %mul3A_828 = arith.muli %arg0, %mul3A_827 : i32
    %add3A_829 = arith.constant 6 : i32
    %add3A_830 = arith.addi %mul3A_828, %add3A_829 : i32
    %mul3A_831 = arith.constant 512 : i32
    %mul3A_832 = arith.muli %add3A_830, %mul3A_831 : i32
    %min3A_833 = arith.constant 7679 : i32
    %min3A_834 = arith.minsi %mul3A_832, %min3A_833 : i32
    %dma_wait3A_835 = arith.constant 0 : i32
    %dma_wait3A_836 = arith.constant 0 : i32
    %dma_wait3A_837 = tpu.memref_slice %arg2[%dma_wait3A_835, %min3A_834, %dma_wait3A_836] : memref<4x8191x1024xf32, #tpu.memory_space<hbm>> -> memref<1x512x1024xf32, #tpu.memory_space<hbm>>
    %dma_wait3A_838 = tpu.memref_squeeze %dma_wait3A_837 : memref<1x512x1024xf32, #tpu.memory_space<hbm>> -> memref<512x1024xf32, #tpu.memory_space<hbm>>
    tpu.wait_dma2 semaphore(%arg9 : memref<!tpu.dma_semaphore, #tpu.memory_space<semaphore_mem>>) src(%arg3 : memref<512x1024xf32, #tpu.memory_space<vmem_shared>>) dst(%dma_wait3A_838 : memref<512x1024xf32, #tpu.memory_space<hbm>>)
    %mul3A_839 = arith.constant 8 : i32
    %mul3A_840 = arith.muli %arg0, %mul3A_839 : i32
    %add3A_841 = arith.constant 6 : i32
    %add3A_842 = arith.addi %mul3A_840, %add3A_841 : i32
    %mul3A_843 = arith.constant 512 : i32
    %mul3A_844 = arith.muli %add3A_842, %mul3A_843 : i32
    %min3A_845 = arith.constant 7679 : i32
    %min3A_846 = arith.minsi %mul3A_844, %min3A_845 : i32
    %dma_wait3A_847 = arith.constant 1 : i32
    %dma_wait3A_848 = arith.constant 0 : i32
    %dma_wait3A_849 = tpu.memref_slice %arg2[%dma_wait3A_847, %min3A_846, %dma_wait3A_848] : memref<4x8191x1024xf32, #tpu.memory_space<hbm>> -> memref<1x512x1024xf32, #tpu.memory_space<hbm>>
    %dma_wait3A_850 = tpu.memref_squeeze %dma_wait3A_849 : memref<1x512x1024xf32, #tpu.memory_space<hbm>> -> memref<512x1024xf32, #tpu.memory_space<hbm>>
    tpu.wait_dma2 semaphore(%arg9 : memref<!tpu.dma_semaphore, #tpu.memory_space<semaphore_mem>>) src(%arg3 : memref<512x1024xf32, #tpu.memory_space<vmem_shared>>) dst(%dma_wait3A_850 : memref<512x1024xf32, #tpu.memory_space<hbm>>)
    %mul3A_851 = arith.constant 8 : i32
    %mul3A_852 = arith.muli %arg0, %mul3A_851 : i32
    %add3A_853 = arith.constant 6 : i32
    %add3A_854 = arith.addi %mul3A_852, %add3A_853 : i32
    %mul3A_855 = arith.constant 512 : i32
    %mul3A_856 = arith.muli %add3A_854, %mul3A_855 : i32
    %min3A_857 = arith.constant 7679 : i32
    %min3A_858 = arith.minsi %mul3A_856, %min3A_857 : i32
    %dma_wait3A_859 = arith.constant 2 : i32
    %dma_wait3A_860 = arith.constant 0 : i32
    %dma_wait3A_861 = tpu.memref_slice %arg2[%dma_wait3A_859, %min3A_858, %dma_wait3A_860] : memref<4x8191x1024xf32, #tpu.memory_space<hbm>> -> memref<1x512x1024xf32, #tpu.memory_space<hbm>>
    %dma_wait3A_862 = tpu.memref_squeeze %dma_wait3A_861 : memref<1x512x1024xf32, #tpu.memory_space<hbm>> -> memref<512x1024xf32, #tpu.memory_space<hbm>>
    tpu.wait_dma2 semaphore(%arg9 : memref<!tpu.dma_semaphore, #tpu.memory_space<semaphore_mem>>) src(%arg3 : memref<512x1024xf32, #tpu.memory_space<vmem_shared>>) dst(%dma_wait3A_862 : memref<512x1024xf32, #tpu.memory_space<hbm>>)
    %mul3A_863 = arith.constant 8 : i32
    %mul3A_864 = arith.muli %arg0, %mul3A_863 : i32
    %add3A_865 = arith.constant 6 : i32
    %add3A_866 = arith.addi %mul3A_864, %add3A_865 : i32
    %mul3A_867 = arith.constant 512 : i32
    %mul3A_868 = arith.muli %add3A_866, %mul3A_867 : i32
    %min3A_869 = arith.constant 7679 : i32
    %min3A_870 = arith.minsi %mul3A_868, %min3A_869 : i32
    %dma_wait3A_871 = arith.constant 3 : i32
    %dma_wait3A_872 = arith.constant 0 : i32
    %dma_wait3A_873 = tpu.memref_slice %arg2[%dma_wait3A_871, %min3A_870, %dma_wait3A_872] : memref<4x8191x1024xf32, #tpu.memory_space<hbm>> -> memref<1x512x1024xf32, #tpu.memory_space<hbm>>
    %dma_wait3A_874 = tpu.memref_squeeze %dma_wait3A_873 : memref<1x512x1024xf32, #tpu.memory_space<hbm>> -> memref<512x1024xf32, #tpu.memory_space<hbm>>
    tpu.wait_dma2 semaphore(%arg9 : memref<!tpu.dma_semaphore, #tpu.memory_space<semaphore_mem>>) src(%arg3 : memref<512x1024xf32, #tpu.memory_space<vmem_shared>>) dst(%dma_wait3A_874 : memref<512x1024xf32, #tpu.memory_space<hbm>>)
    %mul3A_875 = arith.constant 8 : i32
    %mul3A_876 = arith.muli %arg0, %mul3A_875 : i32
    %add3A_877 = arith.constant 7 : i32
    %add3A_878 = arith.addi %mul3A_876, %add3A_877 : i32
    %mul3A_879 = arith.constant 512 : i32
    %mul3A_880 = arith.muli %add3A_878, %mul3A_879 : i32
    %min3A_881 = arith.constant 7679 : i32
    %min3A_882 = arith.minsi %mul3A_880, %min3A_881 : i32
    %dma_wait3A_883 = arith.constant 0 : i32
    %dma_wait3A_884 = arith.constant 0 : i32
    %dma_wait3A_885 = tpu.memref_slice %arg2[%dma_wait3A_883, %min3A_882, %dma_wait3A_884] : memref<4x8191x1024xf32, #tpu.memory_space<hbm>> -> memref<1x512x1024xf32, #tpu.memory_space<hbm>>
    %dma_wait3A_886 = tpu.memref_squeeze %dma_wait3A_885 : memref<1x512x1024xf32, #tpu.memory_space<hbm>> -> memref<512x1024xf32, #tpu.memory_space<hbm>>
    tpu.wait_dma2 semaphore(%arg10 : memref<!tpu.dma_semaphore, #tpu.memory_space<semaphore_mem>>) src(%arg4 : memref<512x1024xf32, #tpu.memory_space<vmem_shared>>) dst(%dma_wait3A_886 : memref<512x1024xf32, #tpu.memory_space<hbm>>)
    %mul3A_887 = arith.constant 8 : i32
    %mul3A_888 = arith.muli %arg0, %mul3A_887 : i32
    %add3A_889 = arith.constant 7 : i32
    %add3A_890 = arith.addi %mul3A_888, %add3A_889 : i32
    %mul3A_891 = arith.constant 512 : i32
    %mul3A_892 = arith.muli %add3A_890, %mul3A_891 : i32
    %min3A_893 = arith.constant 7679 : i32
    %min3A_894 = arith.minsi %mul3A_892, %min3A_893 : i32
    %dma_wait3A_895 = arith.constant 1 : i32
    %dma_wait3A_896 = arith.constant 0 : i32
    %dma_wait3A_897 = tpu.memref_slice %arg2[%dma_wait3A_895, %min3A_894, %dma_wait3A_896] : memref<4x8191x1024xf32, #tpu.memory_space<hbm>> -> memref<1x512x1024xf32, #tpu.memory_space<hbm>>
    %dma_wait3A_898 = tpu.memref_squeeze %dma_wait3A_897 : memref<1x512x1024xf32, #tpu.memory_space<hbm>> -> memref<512x1024xf32, #tpu.memory_space<hbm>>
    tpu.wait_dma2 semaphore(%arg10 : memref<!tpu.dma_semaphore, #tpu.memory_space<semaphore_mem>>) src(%arg4 : memref<512x1024xf32, #tpu.memory_space<vmem_shared>>) dst(%dma_wait3A_898 : memref<512x1024xf32, #tpu.memory_space<hbm>>)
    %mul3A_899 = arith.constant 8 : i32
    %mul3A_900 = arith.muli %arg0, %mul3A_899 : i32
    %add3A_901 = arith.constant 7 : i32
    %add3A_902 = arith.addi %mul3A_900, %add3A_901 : i32
    %mul3A_903 = arith.constant 512 : i32
    %mul3A_904 = arith.muli %add3A_902, %mul3A_903 : i32
    %min3A_905 = arith.constant 7679 : i32
    %min3A_906 = arith.minsi %mul3A_904, %min3A_905 : i32
    %dma_wait3A_907 = arith.constant 2 : i32
    %dma_wait3A_908 = arith.constant 0 : i32
    %dma_wait3A_909 = tpu.memref_slice %arg2[%dma_wait3A_907, %min3A_906, %dma_wait3A_908] : memref<4x8191x1024xf32, #tpu.memory_space<hbm>> -> memref<1x512x1024xf32, #tpu.memory_space<hbm>>
    %dma_wait3A_910 = tpu.memref_squeeze %dma_wait3A_909 : memref<1x512x1024xf32, #tpu.memory_space<hbm>> -> memref<512x1024xf32, #tpu.memory_space<hbm>>
    tpu.wait_dma2 semaphore(%arg10 : memref<!tpu.dma_semaphore, #tpu.memory_space<semaphore_mem>>) src(%arg4 : memref<512x1024xf32, #tpu.memory_space<vmem_shared>>) dst(%dma_wait3A_910 : memref<512x1024xf32, #tpu.memory_space<hbm>>)
    %mul3A_911 = arith.constant 8 : i32
    %mul3A_912 = arith.muli %arg0, %mul3A_911 : i32
    %add3A_913 = arith.constant 7 : i32
    %add3A_914 = arith.addi %mul3A_912, %add3A_913 : i32
    %mul3A_915 = arith.constant 512 : i32
    %mul3A_916 = arith.muli %add3A_914, %mul3A_915 : i32
    %min3A_917 = arith.constant 7679 : i32
    %min3A_918 = arith.minsi %mul3A_916, %min3A_917 : i32
    %dma_wait3A_919 = arith.constant 3 : i32
    %dma_wait3A_920 = arith.constant 0 : i32
    %dma_wait3A_921 = tpu.memref_slice %arg2[%dma_wait3A_919, %min3A_918, %dma_wait3A_920] : memref<4x8191x1024xf32, #tpu.memory_space<hbm>> -> memref<1x512x1024xf32, #tpu.memory_space<hbm>>
    %dma_wait3A_922 = tpu.memref_squeeze %dma_wait3A_921 : memref<1x512x1024xf32, #tpu.memory_space<hbm>> -> memref<512x1024xf32, #tpu.memory_space<hbm>>
    tpu.wait_dma2 semaphore(%arg10 : memref<!tpu.dma_semaphore, #tpu.memory_space<semaphore_mem>>) src(%arg4 : memref<512x1024xf32, #tpu.memory_space<vmem_shared>>) dst(%dma_wait3A_922 : memref<512x1024xf32, #tpu.memory_space<hbm>>)
    return
  }
}

</mosaic_0001>

<sc_bundles>
// kernel: kernel.3.cloned.1.call-start
scs
__scs_entry_jumppad:
0x0: {  	(pc) =	sbr.rel $0x88, $3  }
0x1: {  	(tag) =	ssettag $0x0;
	lr =	simm.s32 $0x1  }
0x2: {  	[smem:$0x3FA0] =	sst lr;
	_ =	strace $0xD0000000  }
0x3: {  	_ = 	snop  }
0x4: {  	_ = 	snop  }
0x5: {  	_ = 	snop  }
0x6: {  	_ = 	snop  }
0x7: {  	_ = 	snop  }
__scs_overlays_trampoline_lowered:
0x8: {  	[smem:$0x3FAF] =	sst s0  }
0x9: {  	[smem:$0x3FB0] =	sst s1  }
0xa: {  	[smem:$0x3FB1] =	sst s2  }
0xb: {  	[smem:$0x3FB2] =	sst s3  }
0xc: {  	[smem:$0x3FB3] =	sst s4  }
0xd: {  	[smem:$0x3FB4] =	sst s5  }
0xe: {  	[smem:$0x3FB5] =	sst s6  }
0xf: {  	[smem:$0x3FB6] =	sst s7  }
0x10: {  	[smem:$0x3FB7] =	sst s8  }
0x11: {  	[smem:$0x3FB8] =	sst s9;
	s0 =	simm.s32 @!p0 $0x0  }
0x12: {  	s1 =	sld [smem:$0x3F9E];
	s0 =	simm.s32 @p0 $0x1  }
0x13: {  	[smem:$0x3FB9] =	sst s0;
	s0 =	simm.s32 @!p1 $0x0  }
0x14: {  	s2 =	sld [smem:$0x3F9D];
	s0 =	simm.s32 @p1 $0x1  }
0x15: {  	[smem:$0x3FBA] =	sst s0;
	s0 =	simm.s32 @!p2 $0x0  }
0x16: {  	s3 =	sld [smem:$0x3FDB];
	s0 =	simm.s32 @p2 $0x1  }
0x17: {  	s4 =	simm.s32 $0x1BF5;
	[smem:$0x3FBC] =	sst s0  }
0x18: {  	s0 =	sld [smem:$0x3F9F];
	_ =	swait.ge [sflag:s4], $0x0  }
0x19: {  	s7 =	sld [smem:$0x3FA0]  }
0x1a: {  	s8 =	sadd.s32 $0xFFFFE003, lr  }
0x1b: {  	s9 =	sadd.s32 $0xFFFFFEF7, lr;
	s5 =	simm.s32 $0xFFFFFFFF;
	p2 =	slt.u32 s8, $0xFFFFF086  }
0x1c: {  	p1 =	slt.u32 s9, $0xF7A;
	s5 =	simm.s32 @!p2 $0x0  }
0x1d: {  	s5 =	simm.s32 @p1 $0x1;
	p0 =	seq.s32 s7, s2  }
0x1e: {  	s7 =	smul.u32 @!p0 $0xF7A, s2;
	p2 =	seq.s32 @!p0 s5, $0x0  }
0x1f: {  	s9 =	smul.u32 $0xF7A, s1;
	s8 =	simm.s32 @!p0 $0x1BF5;
	p2 =	por !p2, p0  }
0x20: {  	[sflag:s8] =	ssyncset.s32 @!p0 $0xFFFFF086;
	s6 =	sadd.s32 @!p0 s3, s7;
	s7 =	simm.s32 @!p0 $0x108  }
0x21: {  	s3 =	sadd.s32 s3, s9;
	s6 =	sadd.s32 @!p0 $0x88, s6;
	s7 =	simm.s32 @p2 $0x1082  }
0x22: {  	[simem:s7], [sflag:s8] =	dma.local @!p0 [hbm:s6], $0xF7A  }
0x23: {  	s9 =	sor.u32 $0xD0000000, s2;
	s6 =	simm.s32 $0x108;
	_ =	swait.ge @!p0 [sflag:s8], $0x0  }
0x24: {  	s3 =	sadd.s32 $0x88, s3;
	s6 =	simm.s32 @!p1 $0x1082;
	[sflag:s4] =	ssyncset.s32 $0xFFFFF086  }
0x25: {  	[simem:s6], [sflag:s4] =	dma.local [hbm:s3], $0xF7A  }
0x26: {  	[smem:$0x3FA0] =	sst s1;
	(tag) =	ssettag s2;
	_ =	strace s9  }
0x27: {  	s1 =	sld [smem:$0x3FB0]  }
0x28: {  	s2 =	sld [smem:$0x3FB1]  }
0x29: {  	s4 =	sld [smem:$0x3FB3]  }
0x2a: {  	p0 =	seq.s32 s5, $0x0;
	s5 =	sld [smem:$0x3FB4]  }
0x2b: {  	s6 =	sld [smem:$0x3FB5]  }
0x2c: {  	s7 =	sld [smem:$0x3FB6]  }
0x2d: {  	s3 =	simm.s32 $0x108;
	s8 =	sld [smem:$0x3FB7]  }
0x2e: {  	s3 =	simm.s32 @!p0 $0x1082;
	s9 =	sld [smem:$0x3FB8]  }
0x2f: {  	lr =	sadd.s32 s0, s3;
	s0 =	sld [smem:$0x3FAF]  }
0x30: {  	s3 =	sld [smem:$0x3FB2]  }
0x31: {  	[smem:$0x3FBB] =	sst s10  }
0x32: {  	s10 =	sld [smem:$0x3FB9];
	_ =	sdelay $0x3  }
0x33: {  	p0 =	seq.s32 s10, $0x1;
	s10 =	sld [smem:$0x3FBB];
	_ =	sdelay $0x3  }
0x34: {  	[smem:$0x3FBB] =	sst s10  }
0x35: {  	s10 =	sld [smem:$0x3FBA];
	_ =	sdelay $0x3  }
0x36: {  	p1 =	seq.s32 s10, $0x1;
	s10 =	sld [smem:$0x3FBB];
	_ =	sdelay $0x3  }
0x37: {  	[smem:$0x3FBB] =	sst s10  }
0x38: {  	s10 =	sld [smem:$0x3FBC]  }
0x39: {  	_ = 	snop;
	(pc) =	sbr.ind lr, $3  }
0x3a: {  	_ = 	snop  }
0x3b: {  	_ = 	snop  }
0x3c: {  	p2 =	seq.s32 s10, $0x1;
	s10 =	sld [smem:$0x3FBB]  }
0x3d: {  	_ =	shalt  }
0x3e: {  	_ =	shalt  }
0x3f: {  	_ =	shalt  }
0x40: {  	_ =	shalt  }
0x41: {  	_ =	shalt  }
0x42: {  	_ =	shalt  }
0x43: {  	_ =	shalt  }
0x44: {  	_ =	shalt  }
0x45: {  	_ =	shalt  }
0x46: {  	_ =	shalt  }
0x47: {  	_ =	shalt  }
0x48: {  	_ =	shalt  }
0x49: {  	_ =	shalt  }
0x4a: {  	_ =	shalt  }
0x4b: {  	_ =	shalt  }
0x4c: {  	_ =	shalt  }
0x4d: {  	_ =	shalt  }
0x4e: {  	_ =	shalt  }
0x4f: {  	_ =	shalt  }
0x50: {  	_ =	shalt  }
0x51: {  	_ =	shalt  }
0x52: {  	_ =	shalt  }
0x53: {  	_ =	shalt  }
0x54: {  	_ =	shalt  }
0x55: {  	_ =	shalt  }
0x56: {  	_ =	shalt  }
0x57: {  	_ =	shalt  }
0x58: {  	_ =	shalt  }
0x59: {  	_ =	shalt  }
0x5a: {  	_ =	shalt  }
0x5b: {  	_ =	shalt  }
0x5c: {  	_ =	shalt  }
0x5d: {  	_ =	shalt  }
0x5e: {  	_ =	shalt  }
0x5f: {  	_ =	shalt  }
0x60: {  	_ =	shalt  }
0x61: {  	_ =	shalt  }
0x62: {  	_ =	shalt  }
0x63: {  	_ =	shalt  }
0x64: {  	_ =	shalt  }
0x65: {  	_ =	shalt  }
0x66: {  	_ =	shalt  }
0x67: {  	_ =	shalt  }
0x68: {  	_ =	shalt  }
0x69: {  	_ =	shalt  }
0x6a: {  	_ =	shalt  }
0x6b: {  	_ =	shalt  }
0x6c: {  	_ =	shalt  }
0x6d: {  	_ =	shalt  }
0x6e: {  	_ =	shalt  }
0x6f: {  	_ =	shalt  }
0x70: {  	_ =	shalt  }
0x71: {  	_ =	shalt  }
0x72: {  	_ =	shalt  }
0x73: {  	_ =	shalt  }
0x74: {  	_ =	shalt  }
0x75: {  	_ =	shalt  }
0x76: {  	_ =	shalt  }
0x77: {  	_ =	shalt  }
0x78: {  	_ =	shalt  }
0x79: {  	_ =	shalt  }
0x7a: {  	_ =	shalt  }
0x7b: {  	_ =	shalt  }
0x7c: {  	_ =	shalt  }
0x7d: {  	_ =	shalt  }
0x7e: {  	_ =	shalt  }
0x7f: {  	_ =	shalt  }
0x80: {  	_ =	shalt  }
0x81: {  	_ =	shalt  }
0x82: {  	_ =	shalt  }
0x83: {  	_ =	shalt  }
0x84: {  	_ =	shalt  }
0x85: {  	_ =	shalt  }
0x86: {  	_ =	shalt  }
0x87: {  	_ =	shalt  }
.Lfunc_end0:
.L_simem_size_0:
called_computation.1_lowered:
.L_overlay_start_0:
0x88: {  	s2 =	sld [smem:$0x3FD9]  }
0x89: {  	s3 =	sld [smem:$0x3FFE];
	_ =	sdelay $0x1  }
0x8a: {  	s1 =	srdreg.scid  }
0x8b: {  	s0 =	sand.u32 $0x1, s1  }
0x8c: {  	s16 =	sshll.u32 s0, $0xA;
	s2 =	sadd.s32 s3, s2  }
0x8d: {  	s2 =	sadd.s32 s2, s16  }
0x8e: {  	s4 =	simm.s32 $0x0;
	[smem:$0x3FC7] =	sst s2  }
0x8f: {  	[smem:$0xF] =	sst s4  }
0x90: {  	s2 =	sld [smem:$0x3FD0];
	(tm) =	ssettm $0x1  }
0x91: {  	s17 =	sld [smem:$0x3FFB];
	_ =	sdelay $0x3  }
0x92: {  	_ =	strace s17  }
0x93: {  	s3 =	sld [smem:$0x3FFC];
	_ =	sdelay $0x3  }
0x94: {  	_ =	strace s3  }
0x95: {  	s3 =	sld [smem:$0x3FFD];
	_ =	sdelay $0x3  }
0x96: {  	_ =	strace s3  }
0x97: {  	s18 =	simm.s32 $0x1B8B;
	_ =	strace $0x8FFFFFFF  }
0x98: {  	_ =	swait.ge [sflag:s18], $0x1  }
0x99: {  	s19 =	simm.s32 $0x1B8E;
	s5 =	sld [smem:$0x3FFE]  }
0x9a: {  	s9 =	simm.s32 $0xA;
	s7 =	simm.s32 $0xB;
	s6 =	simm.s32 $0x10000  }
0x9b: {  	s14 =	simm.s32 $0xC;
	s11 =	sshll.u32 s0, $0x13;
	[sflag:s18] =	ssyncset.done $0x0  }
0x9c: {  	s13 =	simm.s32 $0x20000;
	s21 =	sor.u32 $0x10000, s11;
	[sflag:s18] =	ssyncadd.s32 $0xFFFFFFFF  }
0x9d: {  	s10 =	sadd.s32 s11, s2;
	[smem:$0x3FD2] =	sst s19;
	s8 =	sadd.s32 $0xC00, s5  }
0x9e: {  	_ =	strace $0x80000049;
	s20 =	sadd.s32 s11, s8;
	s22 =	sadd.s32 s21, s8  }
0x9f: {  	[spmem:s4], [sflag:s9] =	dma.local [hbm:s20], $0x10000  }
0xa0: {  	[spmem:s6], [sflag:s7] =	dma.local [hbm:s22], $0x10000  }
0xa1: {  	s25 =	sor.u32 $0x20000, s11;
	s12 =	sadd.s32 $0xFFF80, s10;
	_ =	swait.ge [sflag:s9], $0x10000  }
0xa2: {  	s23 =	sadd.s32 $0x1FFF00, s10;
	s24 =	sadd.s32 $0x2FFE80, s10;
	[sflag:s9] =	ssyncset.done $0x0  }
0xa3: {  	s3 =	simm.s32 $0xD;
	s15 =	sadd.s32 s25, s8;
	[sflag:s9] =	ssyncadd.s32 $0xFFFF0000  }
0xa4: {  	[hbm:s10], [sflag:s3] =	dma.local [spmem:s4], $0x10000  }
0xa5: {  	[hbm:s12], [sflag:s3] =	dma.local [spmem:s4], $0x10000  }
0xa6: {  	[hbm:s23], [sflag:s3] =	dma.local [spmem:s4], $0x10000  }
0xa7: {  	[hbm:s24], [sflag:s3] =	dma.local [spmem:s4], $0x10000  }
0xa8: {  	[spmem:s13], [sflag:s14] =	dma.local [hbm:s15], $0x10000  }
0xa9: {  	s26 =	sadd.s32 s21, s2;
	_ =	swait.ge [sflag:s7], $0x10000  }
0xaa: {  	s28 =	sadd.s32 $0x10FF80, s10;
	s29 =	sadd.s32 $0x20FF00, s10;
	[sflag:s7] =	ssyncset.done $0x0  }
0xab: {  	s30 =	sadd.s32 $0x30FE80, s10;
	s5 =	simm.s32 $0xE;
	[sflag:s7] =	ssyncadd.s32 $0xFFFF0000  }
0xac: {  	[hbm:s26], [sflag:s5] =	dma.local [spmem:s6], $0x10000  }
0xad: {  	[hbm:s28], [sflag:s5] =	dma.local [spmem:s6], $0x10000  }
0xae: {  	[hbm:s29], [sflag:s5] =	dma.local [spmem:s6], $0x10000  }
0xaf: {  	[hbm:s30], [sflag:s5] =	dma.local [spmem:s6], $0x10000  }
0xb0: {  	_ =	swait.ge [sflag:s3], $0x10000  }
0xb1: {  	[sflag:s3] =	ssyncset.done $0x0  }
0xb2: {  	[sflag:s3] =	ssyncadd.s32 $0xFFFF0000;
	_ =	sdelay $0x2  }
0xb3: {  	_ =	swait.ge [sflag:s3], $0x10000  }
0xb4: {  	[sflag:s3] =	ssyncset.done $0x0  }
0xb5: {  	[sflag:s3] =	ssyncadd.s32 $0xFFFF0000;
	_ =	sdelay $0x2  }
0xb6: {  	_ =	swait.ge [sflag:s3], $0x10000  }
0xb7: {  	[sflag:s3] =	ssyncset.done $0x0  }
0xb8: {  	[sflag:s3] =	ssyncadd.s32 $0xFFFF0000;
	_ =	sdelay $0x2  }
0xb9: {  	_ =	swait.ge [sflag:s3], $0x10000  }
0xba: {  	[sflag:s3] =	ssyncset.done $0x0  }
0xbb: {  	s31 =	sor.u32 $0x30000, s11;
	[sflag:s3] =	ssyncadd.s32 $0xFFFF0000  }
0xbc: {  	s16 =	sadd.s32 s31, s8  }
0xbd: {  	[spmem:s4], [sflag:s9] =	dma.local [hbm:s16], $0x10000  }
0xbe: {  	s18 =	sadd.s32 s25, s2;
	_ =	swait.ge [sflag:s14], $0x10000  }
0xbf: {  	s19 =	sadd.s32 $0x11FF80, s10;
	s21 =	sadd.s32 $0x31FE80, s10;
	[sflag:s14] =	ssyncset.done $0x0  }
0xc0: {  	s20 =	sadd.s32 $0x21FF00, s10;
	s12 =	simm.s32 $0xF;
	[sflag:s14] =	ssyncadd.s32 $0xFFFF0000  }
0xc1: {  	[hbm:s18], [sflag:s12] =	dma.local [spmem:s13], $0x10000  }
0xc2: {  	[hbm:s19], [sflag:s12] =	dma.local [spmem:s13], $0x10000  }
0xc3: {  	[hbm:s20], [sflag:s12] =	dma.local [spmem:s13], $0x10000  }
0xc4: {  	[hbm:s21], [sflag:s12] =	dma.local [spmem:s13], $0x10000  }
0xc5: {  	_ =	swait.ge [sflag:s5], $0x10000  }
0xc6: {  	[sflag:s5] =	ssyncset.done $0x0  }
0xc7: {  	[sflag:s5] =	ssyncadd.s32 $0xFFFF0000;
	_ =	sdelay $0x2  }
0xc8: {  	_ =	swait.ge [sflag:s5], $0x10000  }
0xc9: {  	[sflag:s5] =	ssyncset.done $0x0  }
0xca: {  	[sflag:s5] =	ssyncadd.s32 $0xFFFF0000;
	_ =	sdelay $0x2  }
0xcb: {  	_ =	swait.ge [sflag:s5], $0x10000  }
0xcc: {  	[sflag:s5] =	ssyncset.done $0x0  }
0xcd: {  	[sflag:s5] =	ssyncadd.s32 $0xFFFF0000;
	_ =	sdelay $0x2  }
0xce: {  	_ =	swait.ge [sflag:s5], $0x10000  }
0xcf: {  	[sflag:s5] =	ssyncset.done $0x0  }
0xd0: {  	s22 =	sor.u32 $0x40000, s11;
	[sflag:s5] =	ssyncadd.s32 $0xFFFF0000  }
0xd1: {  	s17 =	sadd.s32 s22, s8  }
0xd2: {  	[spmem:s6], [sflag:s7] =	dma.local [hbm:s17], $0x10000  }
0xd3: {  	_ =	swait.ge [sflag:s9], $0x10000  }
0xd4: {  	s25 =	sadd.s32 $0x32FE80, s10;
	s23 =	sadd.s32 $0x12FF80, s10;
	[sflag:s9] =	ssyncset.done $0x0  }
0xd5: {  	s24 =	sadd.s32 $0x22FF00, s10;
	s15 =	sadd.s32 s31, s2;
	[sflag:s9] =	ssyncadd.s32 $0xFFFF0000  }
0xd6: {  	[hbm:s15], [sflag:s3] =	dma.local [spmem:s4], $0x10000  }
0xd7: {  	[hbm:s23], [sflag:s3] =	dma.local [spmem:s4], $0x10000  }
0xd8: {  	[hbm:s24], [sflag:s3] =	dma.local [spmem:s4], $0x10000  }
0xd9: {  	[hbm:s25], [sflag:s3] =	dma.local [spmem:s4], $0x10000  }
0xda: {  	_ =	swait.ge [sflag:s12], $0x10000  }
0xdb: {  	[sflag:s12] =	ssyncset.done $0x0  }
0xdc: {  	[sflag:s12] =	ssyncadd.s32 $0xFFFF0000;
	_ =	sdelay $0x2  }
0xdd: {  	_ =	swait.ge [sflag:s12], $0x10000  }
0xde: {  	[sflag:s12] =	ssyncset.done $0x0  }
0xdf: {  	[sflag:s12] =	ssyncadd.s32 $0xFFFF0000;
	_ =	sdelay $0x2  }
0xe0: {  	_ =	swait.ge [sflag:s12], $0x10000  }
0xe1: {  	[sflag:s12] =	ssyncset.done $0x0  }
0xe2: {  	[sflag:s12] =	ssyncadd.s32 $0xFFFF0000;
	_ =	sdelay $0x2  }
0xe3: {  	_ =	swait.ge [sflag:s12], $0x10000  }
0xe4: {  	[sflag:s12] =	ssyncset.done $0x0  }
0xe5: {  	s26 =	sor.u32 $0x50000, s11;
	[sflag:s12] =	ssyncadd.s32 $0xFFFF0000  }
0xe6: {  	s28 =	sadd.s32 s26, s8  }
0xe7: {  	[spmem:s13], [sflag:s14] =	dma.local [hbm:s28], $0x10000  }
0xe8: {  	_ =	swait.ge [sflag:s7], $0x10000  }
0xe9: {  	s31 =	sadd.s32 $0x33FE80, s10;
	s29 =	sadd.s32 $0x13FF80, s10;
	[sflag:s7] =	ssyncset.done $0x0  }
0xea: {  	s30 =	sadd.s32 $0x23FF00, s10;
	s16 =	sadd.s32 s22, s2;
	[sflag:s7] =	ssyncadd.s32 $0xFFFF0000  }
0xeb: {  	[hbm:s16], [sflag:s5] =	dma.local [spmem:s6], $0x10000  }
0xec: {  	[hbm:s29], [sflag:s5] =	dma.local [spmem:s6], $0x10000  }
0xed: {  	[hbm:s30], [sflag:s5] =	dma.local [spmem:s6], $0x10000  }
0xee: {  	[hbm:s31], [sflag:s5] =	dma.local [spmem:s6], $0x10000  }
0xef: {  	_ =	swait.ge [sflag:s3], $0x10000  }
0xf0: {  	[sflag:s3] =	ssyncset.done $0x0  }
0xf1: {  	[sflag:s3] =	ssyncadd.s32 $0xFFFF0000;
	_ =	sdelay $0x2  }
0xf2: {  	_ =	swait.ge [sflag:s3], $0x10000  }
0xf3: {  	[sflag:s3] =	ssyncset.done $0x0  }
0xf4: {  	[sflag:s3] =	ssyncadd.s32 $0xFFFF0000;
	_ =	sdelay $0x2  }
0xf5: {  	_ =	swait.ge [sflag:s3], $0x10000  }
0xf6: {  	[sflag:s3] =	ssyncset.done $0x0  }
0xf7: {  	[sflag:s3] =	ssyncadd.s32 $0xFFFF0000;
	_ =	sdelay $0x2  }
0xf8: {  	_ =	swait.ge [sflag:s3], $0x10000  }
0xf9: {  	[sflag:s3] =	ssyncset.done $0x0  }
0xfa: {  	s11 =	sor.u32 $0x60000, s11;
	[sflag:s3] =	ssyncadd.s32 $0xFFFF0000  }
0xfb: {  	s17 =	sadd.s32 s11, s8  }
0xfc: {  	[spmem:s4], [sflag:s9] =	dma.local [hbm:s17], $0x10000  }
0xfd: {  	_ =	swait.ge [sflag:s14], $0x10000  }
0xfe: {  	s19 =	sadd.s32 $0x14FF80, s10;
	s20 =	sadd.s32 $0x24FF00, s10;
	[sflag:s14] =	ssyncset.done $0x0  }
0xff: {  	s18 =	sadd.s32 s26, s2;
	s21 =	sadd.s32 $0x34FE80, s10;
	[sflag:s14] =	ssyncadd.s32 $0xFFFF0000  }
0x100: {  	[hbm:s18], [sflag:s12] =	dma.local [spmem:s13], $0x10000  }
0x101: {  	[hbm:s19], [sflag:s12] =	dma.local [spmem:s13], $0x10000  }
0x102: {  	[hbm:s20], [sflag:s12] =	dma.local [spmem:s13], $0x10000  }
0x103: {  	[hbm:s21], [sflag:s12] =	dma.local [spmem:s13], $0x10000  }
0x104: {  	_ =	swait.ge [sflag:s5], $0x10000  }
0x105: {  	[sflag:s5] =	ssyncset.done $0x0  }
0x106: {  	[sflag:s5] =	ssyncadd.s32 $0xFFFF0000;
	_ =	sdelay $0x2  }
0x107: {  	_ =	swait.ge [sflag:s5], $0x10000  }
0x108: {  	[sflag:s5] =	ssyncset.done $0x0  }
0x109: {  	[sflag:s5] =	ssyncadd.s32 $0xFFFF0000;
	_ =	sdelay $0x2  }
0x10a: {  	_ =	swait.ge [sflag:s5], $0x10000  }
0x10b: {  	[sflag:s5] =	ssyncset.done $0x0  }
0x10c: {  	[sflag:s5] =	ssyncadd.s32 $0xFFFF0000;
	_ =	sdelay $0x1  }
0x10d: {  	s22 =	sshll.u32 s0, $0xC  }
0x10e: {  	s13 =	sor.u32 $0xE00, s22;
	_ =	swait.ge [sflag:s5], $0x10000  }
0x10f: {  	s13 =	smin.u32 s13, $0x1DFF;
	[sflag:s5] =	ssyncset.done $0x0  }
0x110: {  	s13 =	sshll.u32 s13, $0x7;
	[sflag:s5] =	ssyncadd.s32 $0xFFFF0000  }
0x111: {  	s8 =	sadd.s32 s13, s8  }
0x112: {  	[spmem:s6], [sflag:s7] =	dma.local [hbm:s8], $0x10000  }
0x113: {  	_ =	swait.ge [sflag:s9], $0x10000  }
0x114: {  	s26 =	sadd.s32 $0x35FE80, s10;
	s24 =	sadd.s32 $0x15FF80, s10;
	[sflag:s9] =	ssyncset.done $0x0  }
0x115: {  	s23 =	sadd.s32 s11, s2;
	s25 =	sadd.s32 $0x25FF00, s10;
	[sflag:s9] =	ssyncadd.s32 $0xFFFF0000  }
0x116: {  	[hbm:s23], [sflag:s3] =	dma.local [spmem:s4], $0x10000  }
0x117: {  	[hbm:s24], [sflag:s3] =	dma.local [spmem:s4], $0x10000  }
0x118: {  	[hbm:s25], [sflag:s3] =	dma.local [spmem:s4], $0x10000  }
0x119: {  	[hbm:s26], [sflag:s3] =	dma.local [spmem:s4], $0x10000  }
0x11a: {  	_ =	swait.ge [sflag:s12], $0x10000  }
0x11b: {  	[sflag:s12] =	ssyncset.done $0x0  }
0x11c: {  	[sflag:s12] =	ssyncadd.s32 $0xFFFF0000;
	_ =	sdelay $0x2  }
0x11d: {  	_ =	swait.ge [sflag:s12], $0x10000  }
0x11e: {  	[sflag:s12] =	ssyncset.done $0x0  }
0x11f: {  	[sflag:s12] =	ssyncadd.s32 $0xFFFF0000;
	_ =	sdelay $0x2  }
0x120: {  	_ =	swait.ge [sflag:s12], $0x10000  }
0x121: {  	[sflag:s12] =	ssyncset.done $0x0  }
0x122: {  	[sflag:s12] =	ssyncadd.s32 $0xFFFF0000;
	_ =	sdelay $0x2  }
0x123: {  	_ =	swait.ge [sflag:s12], $0x10000  }
0x124: {  	[sflag:s12] =	ssyncset.done $0x0  }
0x125: {  	[sflag:s12] =	ssyncadd.s32 $0xFFFF0000;
	_ =	sdelay $0x2  }
0x126: {  	_ =	swait.ge [sflag:s7], $0x10000  }
0x127: {  	s2 =	sadd.s32 s13, s2;
	[sflag:s7] =	ssyncset.done $0x0  }
0x128: {  	s28 =	sadd.s32 $0xFFF80, s2;
	[sflag:s7] =	ssyncadd.s32 $0xFFFF0000  }
0x129: {  	[hbm:s2], [sflag:s5] =	dma.local [spmem:s6], $0x10000  }
0x12a: {  	s29 =	sadd.s32 $0x1FFF00, s2;
	s2 =	sadd.s32 $0x2FFE80, s2  }
0x12b: {  	[hbm:s28], [sflag:s5] =	dma.local [spmem:s6], $0x10000  }
0x12c: {  	[hbm:s29], [sflag:s5] =	dma.local [spmem:s6], $0x10000  }
0x12d: {  	[hbm:s2], [sflag:s5] =	dma.local [spmem:s6], $0x10000  }
0x12e: {  	_ =	swait.ge [sflag:s3], $0x10000  }
0x12f: {  	[sflag:s3] =	ssyncset.done $0x0  }
0x130: {  	[sflag:s3] =	ssyncadd.s32 $0xFFFF0000;
	_ =	sdelay $0x2  }
0x131: {  	_ =	swait.ge [sflag:s3], $0x10000  }
0x132: {  	[sflag:s3] =	ssyncset.done $0x0  }
0x133: {  	[sflag:s3] =	ssyncadd.s32 $0xFFFF0000;
	_ =	sdelay $0x2  }
0x134: {  	_ =	swait.ge [sflag:s3], $0x10000  }
0x135: {  	[sflag:s3] =	ssyncset.done $0x0  }
0x136: {  	[sflag:s3] =	ssyncadd.s32 $0xFFFF0000;
	_ =	sdelay $0x2  }
0x137: {  	_ =	swait.ge [sflag:s3], $0x10000  }
0x138: {  	[sflag:s3] =	ssyncset.done $0x0  }
0x139: {  	[sflag:s3] =	ssyncadd.s32 $0xFFFF0000;
	_ =	sdelay $0x2  }
0x13a: {  	_ =	swait.ge [sflag:s5], $0x10000  }
0x13b: {  	[sflag:s5] =	ssyncset.done $0x0  }
0x13c: {  	[sflag:s5] =	ssyncadd.s32 $0xFFFF0000;
	_ =	sdelay $0x2  }
0x13d: {  	_ =	swait.ge [sflag:s5], $0x10000  }
0x13e: {  	[sflag:s5] =	ssyncset.done $0x0  }
0x13f: {  	[sflag:s5] =	ssyncadd.s32 $0xFFFF0000;
	_ =	sdelay $0x2  }
0x140: {  	_ =	swait.ge [sflag:s5], $0x10000  }
0x141: {  	[sflag:s5] =	ssyncset.done $0x0  }
0x142: {  	[sflag:s5] =	ssyncadd.s32 $0xFFFF0000;
	_ =	sdelay $0x2  }
0x143: {  	_ =	swait.ge [sflag:s5], $0x10000  }
0x144: {  	[sflag:s5] =	ssyncset.done $0x0  }
0x145: {  	[sflag:s5] =	ssyncadd.s32 $0xFFFF0000  }
0x146: {  	_ =	strace $0x90000049  }
0x147: {  	_ =	sfence  }
0x148: {  	s30 =	sld [smem:$0x0];
	_ =	sdelay $0x2  }
0x149: {  	s31 =	sshll.u32 s1, $0xD;
	s1 =	sshrl.u32 s1, $0x2  }
0x14a: {  	s3 =	sand.u32 $0x4000, s31;
	s1 =	sadd.s32 s1, s30  }
0x14b: {  	s0 =	sor.u32 s3, s0;
	s1 =	sshll.u32 s1, $0x11  }
0x14c: {  	s0 =	sor.u32 s1, s0  }
0x14d: {  	s0 =	sadd.s32 $0x8F2B, s0;
	(pc) =	sbr.abs _section_cstart, $3  }
0x14e: {  	[sflag:s0] =	ssyncadd.remote.s32 $0x1  }
0x14f: {  	_ =	strace $0x9FFFFFFF  }
0x150: {  	(tm) =	ssettm $0x7FFFFFFF  }
0x151: {  	_ =	shalt  }

// kernel: sparse-core-data-format-call.cloned.1.call-start
scs
called_computation_lowered:
.L_overlay_start_0:
0x0: {  	s2 =	sld [smem:$0x3FD9]  }
0x1: {  	s3 =	sld [smem:$0x3FFE];
	_ =	sdelay $0x1  }
0x2: {  	s1 =	srdreg.scid  }
0x3: {  	s0 =	sand.u32 $0x1, s1  }
0x4: {  	s18 =	sshll.u32 s0, $0xA;
	s2 =	sadd.s32 s3, s2  }
0x5: {  	s2 =	sadd.s32 s2, s18  }
0x6: {  	[smem:$0x3FC7] =	sst s2  }
0x7: {  	_ = 	snop  }
0x8: {  	s2 =	sld [smem:$0x3FC9];
	(tm) =	ssettm $0x1  }
0x9: {  	s19 =	sld [smem:$0x3FFB];
	_ =	sdelay $0x3  }
0xa: {  	_ =	strace s19  }
0xb: {  	s3 =	sld [smem:$0x3FFC];
	_ =	sdelay $0x3  }
0xc: {  	_ =	strace s3  }
0xd: {  	s3 =	sld [smem:$0x3FFD];
	_ =	sdelay $0x3  }
0xe: {  	_ =	strace s3  }
0xf: {  	_ =	strace $0x8FFFFFFF  }
0x10: {  	s20 =	sld [smem:$0x3FDB];
	_ =	sdelay $0x1  }
0x11: {  	s4 =	simm.s32 $_scs_section_size  }
0x12: {  	s5 =	simm.s32 $_size__tile_overlayer_lowered;
	s6 =	simm.s32 $_tile_overlayer_lowered  }
0x13: {  	s23 =	simm.s32 $0x1BFF;
	s22 =	sshll.u32 s6, $0x1;
	s3 =	sadd.s32 s4, s20  }
0x14: {  	s7 =	simm.s32 $0x0;
	s21 =	sshll.u32 s5, $0x1;
	s5 =	sadd.s32 s22, s3  }
0x15: {  	[timem:s7], [sflag:s23] =	dma.local [hbm:s5], s21  }
0x16: {  	_ =	swait.ge [sflag:s23], s21  }
0x17: {  	s4 =	ssub.s32 $0x0, s21;
	[sflag:s23] =	ssyncset.done $0x0  }
0x18: {  	[sflag:s23] =	ssyncadd.s32 s4;
	_ =	sdelay $0x1  }
0x19: {  	s24 =	simm.s32 $0x1B8B  }
0x1a: {  	_ =	swait.ge [sflag:s24], $0x1  }
0x1b: {  	[sflag:s24] =	ssyncset.done $0x0  }
0x1c: {  	s26 =	simm.s32 $0x1B8E;
	s25 =	sld [smem:$0x3FFE];
	[sflag:s24] =	ssyncadd.s32 $0xFFFFFFFF  }
0x1d: {  	s27 =	simm.s32 $execute0_lowered;
	[smem:$0x3FD2] =	sst s26  }
0x1e: {  	s5 =	sshll.u32 s27, $0x1;
	_ =	strace $0x80000046;
	[dreg:$0x1] =	wrdreg $0xFFFFFFFF  }
0x1f: {  	s28 =	simm.s32 $_size_execute0_lowered;
	s3 =	sadd.s32 s3, s5;
	[dreg:$0x0] =	wrdreg $0x0  }
0x20: {  	s5 =	sshll.u32 s28, $0x1;
	[dreg:$0x2] =	wrdreg s3  }
0x21: {  	[dreg:$0x3] =	wrdreg s5  }
0x22: {  	[dreg:$0x4] =	wrdreg $0xC0  }
0x23: {  	_ =	task [dreg:s7], $0x5FFFF  }
0x24: {  	[dreg:$0x1] =	wrdreg $0xFFFFFFFF  }
0x25: {  	[dreg:$0x0] =	wrdreg $0x60  }
0x26: {  	[dreg:$0x2] =	wrdreg s2  }
0x27: {  	[dreg:$0x3] =	wrdreg s25  }
0x28: {  	[dreg:$0x4] =	wrdreg $0x9  }
0x29: {  	_ =	task.clear_ibuf [dreg:s7], $0x5FFFF;
	_ =	strace $0x90000046  }
0x2a: {  	s29 =	simm.s32 $0x9;
	_ =	strace $0x80000048  }
0x2b: {  	_ =	swait.ge [sflag:s29], $0x1  }
0x2c: {  	[sflag:s29] =	ssyncadd.s32 $0xFFFFFFFF  }
0x2d: {  	_ =	strace $0x90000048  }
0x2e: {  	_ =	sfence  }
0x2f: {  	s30 =	sld [smem:$0x0];
	_ =	sdelay $0x2  }
0x30: {  	s31 =	sshll.u32 s1, $0xD;
	s1 =	sshrl.u32 s1, $0x2  }
0x31: {  	s3 =	sand.u32 $0x4000, s31;
	s1 =	sadd.s32 s1, s30  }
0x32: {  	s0 =	sor.u32 s3, s0;
	s1 =	sshll.u32 s1, $0x11  }
0x33: {  	s0 =	sor.u32 s1, s0  }
0x34: {  	s0 =	sadd.s32 $0x8F2B, s0  }
0x35: {  	[sflag:s0] =	ssyncadd.remote.s32 $0x1  }
0x36: {  	_ =	sfence.sel $0xFFFF  }
0x37: {  	[dreg:$0x0] =	wrdreg $0xFFFFFFFF;
	(pc) =	sbr.abs _section_cstart, $3  }
0x38: {  	[dreg:$0x1] =	wrdreg $0xFFFFFFFF  }
0x39: {  	_ =	task.clear_ibuf [dreg:s7], $0x2FFFF;
	_ =	strace $0x9FFFFFFF  }
0x3a: {  	(tm) =	ssettm $0x7FFFFFFF  }
0x3b: {  	_ =	shalt  }
tec
execute0_lowered:
.L_overlay_start_1:
0x0: {  	(tag) =	ssettag $0x1  }
0x1: {  	s0 =	srdreg.scid  }
0x2: {  	s1 =	sshll.u32 s0, $0x4  }
0x3: {  	s2 =	rddreg [dreg:$0x0];
	s0 =	stileid.u32;
	s1 =	sand.u32 $0x10, s1  }
0x4: {  	s4 =	rddreg [dreg:$0x1];
	s7 =	simm.s32 $0x1;
	s1 =	sor.u32 s0, s1  }
0x5: {  	s8 =	simm.s32 $0x2;
	s9 =	simm.s32 $0x0;
	s3 =	sshll.u32 s1, $0x1  }
0x6: {  	s12 =	simm.s32 $0x0;
	s11 =	simm.s32 $0x0;
	s6 =	ssub.s32 $0x4E2, s3  }
.Ltmp0:
0x7: {  	s4 =	sadd.s32 $0xC00, s4;
	s5 =	sand.u32 $0x3E, s6;
	(pc) =	sbr.rel .LBB1_1-.Ltmp0, $4  }
0x8: {  	s1 =	rddreg [dreg:$0x2];
	_ =	strace $0x80000047;
	p0 =	sne.s32 s5, $0x0  }
0x9: {  	s6 =	sshrl.u32 s6, $0x6;
	s5 =	simm.s32 $0x1;
	s7 =	simm.s32 @!p0 $0x0  }
0xa: {  	s10 =	smov.u32 s3;
	[sflag:s5] =	ssyncpa.u1 $0x0;
	s6 =	sadd.s32 s7, s6  }
0xb: {  	[sflag:s8] =	ssyncpa.u1 $0x0;
	s8 =	simm.s32 $0x0;
	s7 =	sadd.s32 $0x1, s6  }
.LBB1_9:
0xc: {  	s14 =	sadd.s32 $0x40, s10  }
0xd: {  	p1 =	sgt.s32 s14, $0x4E1  }
0xe: {  	s14 =	smov.u32 @p1 s3;
	p1 =	sne.s32 s11, s7  }
.Ltmp1:
0xf: {  	p0 =	slt.u32 s11, $0x2;
	(pc) =	sbr.rel @!p1 .LBB1_10-.Ltmp1, $4  }
0x10: {  	s13 =	simm.s32 @!p0 $0x2  }
0x11: {  	s15 =	sadd.s32 $0x1, s11;
	_ =	swait.ge @!p0 [sflag:s13], $0x4000  }
0x12: {  	s12 =	smov.u32 s10;
	s9 =	sadd.s32 $0x4000, s9;
	[sflag:s13] =	ssyncset.done @!p0 $0x0  }
0x13: {  	s11 =	smov.u32 s15;
	s10 =	smov.u32 s14;
	[sflag:s13] =	ssyncadd.s32 @!p0 $0xFFFFC000  }
.LBB1_1:
0x14: {  	p0 =	sge.u32 s11, s6  }
0x15: {  	s13 =	sxor.u32 @!p0 $0xFFFFFFFF, s11  }
0x16: {  	s31 =	sadd.s32 $0xFFFFFFFF, s11;
	s14 =	sshll.u32 @!p0 s10, $0xA;
	s13 =	sshll.u32 @!p0 s13, $0xE  }
0x17: {  	s15 =	simm.s32 @!p0 $0x0;
	s14 =	sadd.s32 @!p0 s2, s14;
	s13 =	sand.u32 @!p0 $0x4000, s13  }
0x18: {  	[tilespmem:s13], [sflag:$0x1] =	stream.linear.gather @!p0 [hbm4b:s14+s15], $0x4000, $0x38;
	[tilespmem:$0x10000] =	vst v63  }
0x19: {  	p0 =	sge.u32 s31, s6  }
.Ltmp2:
0x1a: {  	_ = 	snop;
	(pc) =	sbr.rel @p0 .LBB1_9-.Ltmp2, $1  }
0x1b: {  	_ =	sdelay $0x3  }
0x1c: {  	s13 =	sshll.u32 s9, $0x2  }
0x1d: {  	_ =	swait.ge [sflag:s5], $0x4000;
	s14 =	sshll.u32 s11, $0xE;
	s16 =	simm.s32 $0x0  }
0x1e: {  	p1 =	por $0x1, $0x1;
	s13 =	sand.u32 $0x10000, s13;
	[sflag:s5] =	ssyncset.done $0x0  }
0x1f: {  	s14 =	sand.u32 $0x4000, s14;
	s15 =	sshrl.u32 s13, $0x2;
	[sflag:s5] =	ssyncadd.s32 $0xFFFFC000  }
0x20: {  	s13 =	sor.u32 $0x8000, s14;
	s14 =	sadd.s32 $0x8040, s15;
	s15 =	sadd.s32 $0x40, s15  }
.LBB1_3:
0x21: {  	s16 =	sshll.u32 s16, $0x2  }
0x22: {  	p0 =	por p1, p1;
	s17 =	sshra.s32 s16, $0x2  }
0x23: {  	s18 =	simm.s32 $0x0;
	s16 =	sadd.s32 s17, s14;
	s17 =	sadd.s32 s17, s15  }
.LBB1_4:
0x24: {  	v0 =	vmov s17;
	_ =	sdelay $0x3  }
0x25: {  	s20 =	simm.s32 $0x0  }
0x26: {  	v6 =	vld.idx.msk [tilespmem:v0+s20+$0x30 ss:$0x1], $0xffff  }
0x27: {  	v7 =	vld.idx.msk [tilespmem:v0+s20+$0xFFFFFFC0 ss:$0x1], $0xffff  }
0x28: {  	v5 =	vld.idx.msk [tilespmem:v0+s20+$0xFFFFFFD0 ss:$0x1], $0xffff  }
0x29: {  	v4 =	vld.idx.msk [tilespmem:v0+s20+$0xFFFFFFE0 ss:$0x1], $0xffff  }
0x2a: {  	v3 =	vld.idx.msk [tilespmem:v0+s20+$0xFFFFFFF0 ss:$0x1], $0xffff  }
0x2b: {  	v1 =	vld.idx.msk [tilespmem:v0+s20+$0x0 ss:$0x1], $0xffff  }
0x2c: {  	v2 =	vld.idx.msk [tilespmem:v0+s20+$0x10 ss:$0x1], $0xffff;
	[tilespmem:s16+$0x30] =	vst v6  }
0x2d: {  	s19 =	simm.s32 $0x80;
	s21 =	simm.s32 $0x400;
	[tilespmem:s16+$0xFFFFFFC0] =	vst v7;
	v6 =	vld.idx.msk [tilespmem:v0+s20+$0x20 ss:$0x1], $0xffff;
	s20 =	smov.u32 s16  }
.LBB1_5:
0x2e: {  	p1 =	sne.s32 s21, $0xE00;
	v7 =	vld.idx.msk [tilespmem:v0+s19+$0x30 ss:$0x1], $0xffff;
	[tilespmem:s20+$0xFFFFFFD0] =	vst v5  }
0x2f: {  	v8 =	vld.idx.msk [tilespmem:v0+s19+$0xFFFFFFC0 ss:$0x1], $0xffff;
	[tilespmem:s20+$0xFFFFFFE0] =	vst v4  }
0x30: {  	v5 =	vld.idx.msk [tilespmem:v0+s19+$0xFFFFFFD0 ss:$0x1], $0xffff;
	[tilespmem:s20+$0xFFFFFFF0] =	vst v3  }
.Ltmp3:
0x31: {  	v4 =	vld.idx.msk [tilespmem:v0+s19+$0xFFFFFFE0 ss:$0x1], $0xffff;
	[tilespmem:s20+$0x0] =	vst v1;
	(pc) =	sbr.rel @p1 .LBB1_5-.Ltmp3, $4  }
0x32: {  	v3 =	vld.idx.msk [tilespmem:v0+s19+$0xFFFFFFF0 ss:$0x1], $0xffff;
	[tilespmem:s20+$0x10] =	vst v2  }
0x33: {  	v1 =	vld.idx.msk [tilespmem:v0+s19+$0x0 ss:$0x1], $0xffff;
	[tilespmem:s20+$0x20] =	vst v6;
	s20 =	sadd.s32 $0x400, s20  }
0x34: {  	v2 =	vld.idx.msk [tilespmem:v0+s19+$0x10 ss:$0x1], $0xffff;
	[tilespmem:s20+$0x30] =	vst v7  }
0x35: {  	[tilespmem:s20+$0xFFFFFFC0] =	vst v8;
	v6 =	vld.idx.msk [tilespmem:v0+s19+$0x20 ss:$0x1], $0xffff;
	s19 =	sshra.s32 s21, $0x2;
	s21 =	sadd.s32 $0x200, s21  }
0x36: {  	_ =	sdelay $0x2  }
0x37: {  	[tilespmem:s20+$0xFFFFFFD0] =	vst v5  }
0x38: {  	v56 =	vld.idx.msk [tilespmem:v0+s19+$0x30 ss:$0x1], $0xffff;
	[tilespmem:s20+$0xFFFFFFE0] =	vst v4  }
0x39: {  	v57 =	vld.idx.msk [tilespmem:v0+s19+$0xFFFFFFC0 ss:$0x1], $0xffff;
	[tilespmem:s20+$0xFFFFFFF0] =	vst v3  }
0x3a: {  	v58 =	vld.idx.msk [tilespmem:v0+s19+$0xFFFFFFD0 ss:$0x1], $0xffff;
	[tilespmem:s20+$0x0] =	vst v1  }
0x3b: {  	v59 =	vld.idx.msk [tilespmem:v0+s19+$0xFFFFFFE0 ss:$0x1], $0xffff;
	[tilespmem:s20+$0x10] =	vst v2  }
0x3c: {  	v60 =	vld.idx.msk [tilespmem:v0+s19+$0xFFFFFFF0 ss:$0x1], $0xffff;
	s31 =	sadd.s32 $0x400, s20;
	[tilespmem:s20+$0x20] =	vst v6  }
0x3d: {  	v61 =	vld.idx.msk [tilespmem:v0+s19+$0x0 ss:$0x1], $0xffff;
	[tilespmem:s31+$0x30] =	vst v56  }
0x3e: {  	v62 =	vld.idx.msk [tilespmem:v0+s19+$0x10 ss:$0x1], $0xffff;
	s18 =	sadd.s32 $0x1, s18;
	[tilespmem:s31+$0xFFFFFFC0] =	vst v57  }
0x3f: {  	v63 =	vld.idx.msk [tilespmem:v0+s19+$0x20 ss:$0x1], $0xffff;
	p1 =	sne.s32 s18, $0x8;
	[tilespmem:s31+$0xFFFFFFD0] =	vst v58  }
.Ltmp4:
0x40: {  	[tilespmem:s31+$0xFFFFFFE0] =	vst v59;
	(pc) =	sbr.rel @p1 .LBB1_4-.Ltmp4, $4  }
0x41: {  	[tilespmem:s31+$0xFFFFFFF0] =	vst v60  }
0x42: {  	[tilespmem:s31+$0x0] =	vst v61  }
0x43: {  	[tilespmem:s31+$0x10] =	vst v62  }
0x44: {  	s16 =	sadd.s32 $0x80, s16;
	s17 =	sadd.s32 $0x400, s17;
	[tilespmem:s31+$0x20] =	vst v63  }
.Ltmp5:
0x45: {  	(pc) =	sbr.rel @p0 .LBB1_3-.Ltmp5, $2  }
0x46: {  	_ =	sdelay $0x2  }
0x47: {  	s16 =	simm.s32 $0x2000;
	p1 =	por $0x0, $0x0  }
.Ltmp6:
0x48: {  	(pc) =	sbr.rel .LBB1_9-.Ltmp6, $4  }
0x49: {  	_ = 	snop  }
0x4a: {  	s12 =	sshll.u32 s12, $0xA  }
0x4b: {  	s12 =	sadd.s32 s4, s12  }
0x4c: {  	[hbm4b:s12+s8] =	stream.linear.scatter [tilespmem:s13], [sflag:$0x2], $0x4000, $0x38;
	[tilespmem:$0x10000] =	vst v63  }
.LBB1_10:
0x4d: {  	_ =	sfence.sel $0x180000  }
0x4e: {  	s2 =	simm.s32 $0x1;
	[bflag:$0x0] =	sbarrier.arrive $0xFFFF  }
0x4f: {  	s31 =	simm.s32 $0x2;
	[sflag:s2] =	ssyncpa.u1 $0x1  }
0x50: {  	[sflag:s31] =	ssyncpa.u1 $0x1  }
0x51: {  	p0 =	sne.s32 s0, $0x0;
	_ =	strace $0x90000047  }
0x52: {  	s0 =	sadd.s32 @!p0 $0x100000, s1;
	[bflag:$0x2] =	sbarrier.arrive $0xFFFF  }
0x53: {  	[sflag:s0] =	ssyncadd.tile.s32 @!p0 $0x1;
	_ =	shalt  }
.Lfunc_end1:
_tile_overlayer_lowered:
.L_overlay_start_2:
0x54: {  	(tag) =	ssettag $0x2  }
0x55: {  	s0 =	rddreg [dreg:$0x0];
	s2 =	stileid.u32  }
0x56: {  	s1 =	rddreg [dreg:$0x1];
	p0 =	sne.s32 s2, $0x0  }
0x57: {  	s3 =	rddreg [dreg:$0x2];
	[bflag:$0x3] =	sbarrier.arrive $0xFFFF;
	s2 =	simm.s32 @!p0 $0x1C01  }
0x58: {  	[timem:s3], [sflag:s2] =	dma.local @!p0 [hbm:s0], s1  }
0x59: {  	s0 =	simm.s32 @!p0 $0x1  }
0x5a: {  	_ =	swait.ge @!p0 [sflag:s0], s1  }
0x5b: {  	s1 =	ssub.s32 @!p0 $0x0, s1;
	[sflag:s0] =	ssyncset.done @!p0 $0x0  }
0x5c: {  	[sflag:s0] =	ssyncadd.s32 @!p0 s1  }
0x5d: {  	[bflag:$0x3] =	sbarrier.arrive $0xFFFF  }
0x5e: {  	_ =	shalt  }

</sc_bundles>
